<compile_context>
chip_gen: v7x
topology: tpu7x:2x2x1
jax: 0.10.2.dev20260603
libtpu: 0.0.44.dev20260713+nightly
codegen_flags: <defaults>
</compile_context>

<pallas_src>
import functools

import jax
import jax.numpy as jnp
from jax import lax
from jax.experimental import pallas as pl
from jax.experimental.pallas import tpu as pltpu
from jax.experimental.pallas import tpu_sc as plsc

N_HIT = 10000
K_OBJ = 256
N_EDGE = 10000
DIM = 8
NPAD = 10240
EPAD = 10240
NW = 32
HPT = NPAD // NW
EPT = EPAD // NW
LANES = 16
BIG_I = 2**30


def _sc_mask_and_gather(eh_pad, ep_pad, f_pad):
    mesh = plsc.VectorSubcoreMesh(core_axis_name="c", subcore_axis_name="s")

    half = K_OBJ // 2
    slab_words = HPT * half

    @functools.partial(
        pl.kernel,
        mesh=mesh,
        compiler_params=pltpu.CompilerParams(needs_layout_passes=False),
        out_type=[
            jax.ShapeDtypeStruct((NPAD * half,), jnp.float32),
            jax.ShapeDtypeStruct((NPAD * half,), jnp.float32),
            jax.ShapeDtypeStruct((EPAD,), jnp.float32),
        ],
        scratch_types=[
            pltpu.VMEM((slab_words,), jnp.float32),
            pltpu.VMEM((slab_words,), jnp.float32),
            pltpu.VMEM((EPAD,), jnp.int32),
            pltpu.VMEM((EPAD,), jnp.int32),
            pltpu.VMEM((NPAD,), jnp.float32),
            pltpu.VMEM((EPT,), jnp.float32),
        ],
    )
    def body(eh_hbm, ep_hbm, f_hbm, mlo_hbm, mhi_hbm, fe_hbm,
             slab_lo, slab_hi, eh_v, ep_v, f_v, fe_v):
        wid = lax.axis_index("s") * 2 + lax.axis_index("c")
        hbase = wid * HPT
        ebase = wid * EPT

        pltpu.sync_copy(eh_hbm, eh_v)
        pltpu.sync_copy(ep_hbm, ep_v)
        pltpu.sync_copy(f_hbm, f_v)

        zeros16 = jnp.zeros((LANES,), jnp.float32)

        def zero_step(i, carry):
            for u in range(8):
                slab_lo[pl.ds((i * 8 + u) * LANES, LANES)] = zeros16
                slab_hi[pl.ds((i * 8 + u) * LANES, LANES)] = zeros16
            return carry

        lax.fori_loop(0, slab_words // (8 * LANES), zero_step, 0)

        ones16 = jnp.ones((LANES,), jnp.float32)
        lane = jnp.arange(LANES, dtype=jnp.int32)

        def scan_step(i, carry):
            for u in range(4):
                g = i * 4 + u
                h16 = eh_v[pl.ds(g * LANES, LANES)]
                p16 = ep_v[pl.ds(g * LANES, LANES)]
                evalid = (g * LANES + lane) < N_EDGE
                hl = h16 - hbase
                own = evalid & (hl >= 0) & (hl < HPT)
                hl = jnp.clip(hl, 0, HPT - 1)
                idx16 = hl * half + (p16 & (half - 1))
                plsc.store_scatter(slab_lo, [idx16], ones16,
                                   mask=own & (p16 < half))
                plsc.store_scatter(slab_hi, [idx16], ones16,
                                   mask=own & (p16 >= half))
            return carry

        lax.fori_loop(0, EPAD // (4 * LANES), scan_step, 0)

        def gather_step(j, carry):
            for u in range(4):
                g = j * 4 + u
                idx = eh_v[pl.ds(ebase + g * LANES, LANES)]
                fe_v[pl.ds(g * LANES, LANES)] = plsc.load_gather(f_v, [idx])
            return carry

        lax.fori_loop(0, EPT // (4 * LANES), gather_step, 0)

        pltpu.sync_copy(slab_lo, mlo_hbm.at[pl.ds(hbase * half, slab_words)])
        pltpu.sync_copy(slab_hi, mhi_hbm.at[pl.ds(hbase * half, slab_words)])
        pltpu.sync_copy(fe_v, fe_hbm.at[pl.ds(ebase, EPT)])

    return body(eh_pad, ep_pad, f_pad)


def _tc_body(x_ref, f_ref, yi_ref, ys_ref, ep_ref, eh_ref, fe_ref,
             mlo_ref, mhi_ref, out_ref):
    hi = jax.lax.Precision.HIGHEST
    iota_k = lax.broadcasted_iota(jnp.int32, (K_OBJ, 1), 0)
    lane128 = lax.broadcasted_iota(jnp.int32, (1, 128), 1)
    lane1024 = lax.broadcasted_iota(jnp.int32, (1, 1024), 1)

    row10 = lax.broadcasted_iota(jnp.int32, (10, 1024), 0)
    col10 = lax.broadcasted_iota(jnp.int32, (10, 1024), 1)
    hvalid_all = (row10 * 1024 + col10) < N_HIT
    yi = yi_ref[...]
    ys = ys_ref[...]
    fh = f_ref[...]
    bkg = (yi == -1) & (ys >= 0) & hvalid_all
    n_bkg = jnp.sum(jnp.where(bkg, 1.0, 0.0))
    f_bkg = jnp.sum(jnp.where(bkg, fh, 0.0))

    def seg_half(kbase):
        iota_kh = lax.broadcasted_iota(jnp.int32, (K_OBJ // 2, 1), 0) + kbase

        def seg_chunk(c4, carry):
            M, MI, EH = carry
            for u in range(4):
                c = c4 * 4 + u
                ep_c = ep_ref[pl.ds(c, 1), :]
                fe_c = fe_ref[pl.ds(c, 1), :]
                eh_c = eh_ref[pl.ds(c, 1), :]
                evalid = (c * 128 + lane128) < N_EDGE
                oh = (ep_c == iota_kh) & evalid
                cand = jnp.where(oh, fe_c, -1.0)
                better = cand > M
                eidx = c * 128 + lane128
                M = jnp.where(better, cand, M)
                MI = jnp.where(better, eidx, MI)
                EH = jnp.where(better, eh_c, EH)
            return (M, MI, EH)

        M, MI, EH = lax.fori_loop(
            0, EPAD // (4 * 128), seg_chunk,
            (jnp.full((K_OBJ // 2, 128), -1.0, jnp.float32),
             jnp.full((K_OBJ // 2, 128), BIG_I, jnp.int32),
             jnp.zeros((K_OBJ // 2, 128), jnp.int32)))
        smax = jnp.max(M, axis=1, keepdims=True)
        mi_m = jnp.where(M == smax, MI, BIG_I)
        gmi = jnp.min(mi_m, axis=1, keepdims=True)
        sel = mi_m == gmi
        ctr = jnp.sum(jnp.where(sel, EH, 0), axis=1, keepdims=True)
        return smax, ctr

    smax_lo, ctr_lo = seg_half(0)
    smax_hi, ctr_hi = seg_half(K_OBJ // 2)
    seg_max = jnp.concatenate([smax_lo, smax_hi], axis=0)
    centers = jnp.concatenate([ctr_lo, ctr_hi], axis=0)

    def xc_chunk(b, carry):
        hidx = b * 1024 + lane1024
        oh16 = (centers == hidx).astype(jnp.bfloat16)
        xb = x_ref[pl.ds(b * 1024, 1024), :]
        xb_hi = xb.astype(jnp.bfloat16)
        xb_lo = (xb - xb_hi.astype(jnp.float32)).astype(jnp.bfloat16)
        dn = (((1,), (0,)), ((), ()))
        acc = lax.dot_general(oh16, xb_hi, dn,
                              preferred_element_type=jnp.float32)
        acc = acc + lax.dot_general(oh16, xb_lo, dn,
                                    preferred_element_type=jnp.float32)
        return carry + acc

    xc = lax.fori_loop(0, NPAD // 1024, xc_chunk,
                       jnp.zeros((K_OBJ, DIM), jnp.float32))
    xc2 = jnp.sum(xc * xc, axis=1, keepdims=True)
    xc_hi16 = xc.astype(jnp.bfloat16)
    xc_lo16 = (xc - xc_hi16.astype(jnp.float32)).astype(jnp.bfloat16)

    f_centers = seg_max
    t = 0.5 * jnp.log((1.0 + f_centers) / (1.0 - f_centers))
    qc = t * t + 0.5

    eye_k = (iota_k == lax.broadcasted_iota(jnp.int32, (K_OBJ, K_OBJ), 1))
    eye_k = eye_k.astype(jnp.float32)
    xc2_row = lax.dot_general(xc2, eye_k, (((0,), (0,)), ((), ())),
                              precision=hi)
    qc_row = lax.dot_general(qc, eye_k, (((0,), (0,)), ((), ())),
                             precision=hi)

    qc_lo = lax.slice(qc_row, (0, 0), (1, 128))
    qc_hi = lax.slice(qc_row, (0, 128), (1, 256))

    def dense_block(b, vacc):
        xb = x_ref[pl.ds(b * 1024, 1024), :]
        x2b = jnp.sum(xb * xb, axis=1, keepdims=True)
        xb_hi = xb.astype(jnp.bfloat16)
        xb_lo = (xb - xb_hi.astype(jnp.float32)).astype(jnp.bfloat16)
        dn = (((1,), (1,)), ((), ()))
        dots = (lax.dot_general(xb_hi, xc_hi16, dn,
                                preferred_element_type=jnp.float32)
                + lax.dot_general(xb_hi, xc_lo16, dn,
                                  preferred_element_type=jnp.float32)
                + lax.dot_general(xb_lo, xc_hi16, dn,
                                  preferred_element_type=jnp.float32))
        dist = x2b + xc2_row - 2.0 * dots
        d_lo = lax.slice(dist, (0, 0), (1024, 128))
        d_hi = lax.slice(dist, (0, 128), (1024, 256))
        mlo = mlo_ref[pl.ds(b * 1024, 1024), :]
        mhi = mhi_ref[pl.ds(b * 1024, 1024), :]
        v_lo = jnp.where(mlo > 0.5, d_lo, jnp.maximum(1.0 - d_lo, 0.0))
        v_hi = jnp.where(mhi > 0.5, d_hi, jnp.maximum(1.0 - d_hi, 0.0))
        wsum = (jnp.sum(v_lo * qc_lo, axis=1, keepdims=True)
                + jnp.sum(v_hi * qc_hi, axis=1, keepdims=True))
        f_b = f_ref[pl.ds(b, 1), :]
        hvalid = (b * 1024 + lane1024) < N_HIT
        tq = 0.5 * jnp.log((1.0 + f_b) / (1.0 - f_b))
        q_b = jnp.where(hvalid, tq * tq + 0.5, 0.0)
        contrib = lax.dot_general(q_b, wsum, (((1,), (0,)), ((), ())),
                                  precision=hi)
        return vacc + contrib

    vtot = lax.fori_loop(0, NPAD // 1024, dense_block,
                         jnp.zeros((1, 1), jnp.float32))
    v = vtot[0, 0] / N_HIT

    b_out = (1.0 - jnp.sum(f_centers) / K_OBJ
             + jnp.where(n_bkg > 0.0, f_bkg / jnp.maximum(n_bkg, 1.0), 0.0))

    row8 = lax.broadcasted_iota(jnp.int32, (8, 128), 0)
    col8 = lax.broadcasted_iota(jnp.int32, (8, 128), 1)
    out = jnp.where((row8 == 0) & (col8 == 0), b_out,
                    jnp.where((row8 == 0) & (col8 == 1), v, 0.0))
    out_ref[...] = out


def _tc_call(x, f10, yi10, ys10, ep80, eh80, fe80, mlo, mhi):
    return pl.pallas_call(
        _tc_body,
        out_shape=jax.ShapeDtypeStruct((8, 128), jnp.float32),
    )(x, f10, yi10, ys10, ep80, eh80, fe80, mlo, mhi)


def kernel(x, f, y_i, y_s, n_true, e_true):
    eh = e_true[0]
    ep = e_true[1]
    pad_e = EPAD - N_EDGE
    pad_h = NPAD - N_HIT
    eh_pad = jnp.pad(eh, (0, pad_e))
    ep_pad = jnp.pad(ep, (0, pad_e))
    f_pad = jnp.pad(f, (0, pad_h))

    mlo_flat, mhi_flat, fe = _sc_mask_and_gather(eh_pad, ep_pad, f_pad)
    mlo = mlo_flat.reshape(NPAD, 128)
    mhi = mhi_flat.reshape(NPAD, 128)

    xp = jnp.pad(x, ((0, pad_h), (0, 0)))
    f10 = f_pad.reshape(10, 1024)
    yi10 = jnp.pad(y_i, (0, pad_h)).reshape(10, 1024)
    ys10 = jnp.pad(y_s, (0, pad_h)).reshape(10, 1024)
    ep80 = ep_pad.reshape(80, 128)
    eh80 = eh_pad.reshape(80, 128)
    fe80 = fe.reshape(80, 128)

    res = _tc_call(xp, f10, yi10, ys10, ep80, eh80, fe80, mlo, mhi)
    return res[0, 0:2]

# --- scband reference (transcript-rebuilt; emitter-appended) ---
"""Pipeline reference for scband-obj-condensation-loss-9938554323227 (READ-ONLY COPY).

The authoritative reference and input builder live on the scoring server;
editing this copy changes nothing except your own understanding.
"""

import jax, jax.numpy as jnp
import numpy as np

S_B = 1.0
Q_MIN = 0.5
N_HIT = 10000
N_TRUE = 256
N_EDGE = 10000
D = 8


def setup_inputs(seed: int = 0) -> dict:
    key = jax.random.key(seed)
    ks = jax.random.split(key, 6)
    x = jax.random.normal(ks[0], (N_HIT, D), dtype=jnp.float32)
    f = jax.random.uniform(ks[1], (N_HIT,), dtype=jnp.float32, minval=0.0, maxval=0.999)
    y_i = jax.random.randint(ks[2], (N_HIT,), -1, N_TRUE).astype(jnp.int32)
    y_s = jax.random.randint(ks[3], (N_HIT,), 0, 2).astype(jnp.int32)
    e_h = jax.random.randint(ks[4], (N_EDGE,), 0, N_HIT)
    # guarantee every true object has at least one association edge
    e_p = jnp.concatenate([jnp.arange(N_TRUE), jax.random.randint(ks[5], (N_EDGE - N_TRUE,), 0, N_TRUE)])
    e_true = jnp.stack([e_h, e_p]).astype(jnp.int32)
    return {"x": x, "f": f, "y_i": y_i, "y_s": y_s, "n_true": N_TRUE, "e_true": e_true}


def reference(x, f, y_i, y_s, n_true, e_true):
    e_h = e_true[0]
    e_p = e_true[1]
    n_hit = x.shape[0]
    E = e_h.shape[0]
    # scatter_max(f[e_h], e_p, dim_size=n_true) -> (values, argmax-into-src)
    f_e = f[e_h]
    seg_max = jax.ops.segment_max(f_e, e_p, num_segments=N_TRUE)
    is_max = f_e == seg_max[e_p]
    cand = jnp.where(is_max, jnp.arange(E), E)
    centers_in_edges = jax.ops.segment_min(cand, e_p, num_segments=N_TRUE)
    f_centers = f_e[centers_in_edges]
    centers = e_h[centers_in_edges]
    b = 1.0 - f_centers.sum() / n_true
    bkg_mask = (y_i == -1) & (y_s >= 0)
    n_bkg = bkg_mask.sum()
    b = b + jnp.where(n_bkg > 0, S_B / jnp.maximum(n_bkg, 1) * jnp.where(bkg_mask, f, 0.0).sum(), 0.0)
    q = jnp.square(jnp.arctanh(f)) + Q_MIN
    m_ik = jnp.zeros((n_hit, N_TRUE), dtype=bool).at[e_h, e_p].set(True)
    dist = jnp.square(x[:, None, :] - x[centers][None, :, :]).sum(axis=2)
    v = jnp.where(m_ik, dist, jnp.maximum(1.0 - dist, 0.0))
    v = ((v * q[centers]).sum(axis=1) * q).sum() / n_hit
    return jnp.stack([b, v])

if __name__ == "__main__":
    import jax
    _d = setup_inputs()
    print(jax.jit(kernel)(*tuple(_d.values())))

</pallas_src>

<mosaic_0001>
#map = affine_map<(d0, d1) -> (0)>
module attributes {stable_mosaic.version = 14 : i64} {
  func.func @body(%arg0: i32, %arg1: i32, %arg2: memref<10240xi32, #tpu.memory_space<hbm>>, %arg3: memref<10240xi32, #tpu.memory_space<hbm>>, %arg4: memref<10240xf32, #tpu.memory_space<hbm>>, %arg5: memref<1310720xf32, #tpu.memory_space<hbm>>, %arg6: memref<1310720xf32, #tpu.memory_space<hbm>>, %arg7: memref<10240xf32, #tpu.memory_space<hbm>>, %arg8: memref<40960xf32, #tpu.memory_space<vmem>>, %arg9: memref<40960xf32, #tpu.memory_space<vmem>>, %arg10: memref<10240xi32, #tpu.memory_space<vmem>>, %arg11: memref<10240xi32, #tpu.memory_space<vmem>>, %arg12: memref<10240xf32, #tpu.memory_space<vmem>>, %arg13: memref<320xf32, #tpu.memory_space<vmem>>) attributes {dimension_semantics = [#tpu.dimension_semantics<core_parallel>, #tpu.dimension_semantics<subcore_parallel>], iteration_bounds = array<i64: 2, 16>, scalar_prefetch = 0 : i64, scratch_operands = 6 : i64, tpu.core_type = #tpu.core_type<sc_vector_subcore>, window_params = [{transform_indices = #map}, {transform_indices = #map}, {transform_indices = #map}, {transform_indices = #map}, {transform_indices = #map}, {transform_indices = #map}]} {
    %mul3A = arith.constant 2 : i32
    %mul3A_0 = arith.muli %arg1, %mul3A : i32
    %add3A = arith.addi %mul3A_0, %arg0 : i32
    %mul3A_1 = arith.constant 320 : i32
    %mul3A_2 = arith.muli %add3A, %mul3A_1 : i32
    %mul3A_3 = arith.constant 320 : i32
    %mul3A_4 = arith.muli %add3A, %mul3A_3 : i32
    "tpu.region"() ({
      %run_scoped3A = tpu.sem_alloc : memref<!tpu.dma_semaphore, #tpu.memory_space<semaphore_mem>>
      tpu.enqueue_dma source(%arg2 : memref<10240xi32, #tpu.memory_space<hbm>>) target(%arg10 : memref<10240xi32, #tpu.memory_space<vmem>>) target_semaphore(%run_scoped3A : memref<!tpu.dma_semaphore, #tpu.memory_space<semaphore_mem>>)
      tpu.wait_dma2 semaphore(%run_scoped3A : memref<!tpu.dma_semaphore, #tpu.memory_space<semaphore_mem>>) src(%arg2 : memref<10240xi32, #tpu.memory_space<hbm>>) dst(%arg10 : memref<10240xi32, #tpu.memory_space<vmem>>)
      tpu.yield
    }) : () -> ()
    "tpu.region"() ({
      %run_scoped3A = tpu.sem_alloc : memref<!tpu.dma_semaphore, #tpu.memory_space<semaphore_mem>>
      tpu.enqueue_dma source(%arg3 : memref<10240xi32, #tpu.memory_space<hbm>>) target(%arg11 : memref<10240xi32, #tpu.memory_space<vmem>>) target_semaphore(%run_scoped3A : memref<!tpu.dma_semaphore, #tpu.memory_space<semaphore_mem>>)
      tpu.wait_dma2 semaphore(%run_scoped3A : memref<!tpu.dma_semaphore, #tpu.memory_space<semaphore_mem>>) src(%arg3 : memref<10240xi32, #tpu.memory_space<hbm>>) dst(%arg11 : memref<10240xi32, #tpu.memory_space<vmem>>)
      tpu.yield
    }) : () -> ()
    "tpu.region"() ({
      %run_scoped3A = tpu.sem_alloc : memref<!tpu.dma_semaphore, #tpu.memory_space<semaphore_mem>>
      tpu.enqueue_dma source(%arg4 : memref<10240xf32, #tpu.memory_space<hbm>>) target(%arg12 : memref<10240xf32, #tpu.memory_space<vmem>>) target_semaphore(%run_scoped3A : memref<!tpu.dma_semaphore, #tpu.memory_space<semaphore_mem>>)
      tpu.wait_dma2 semaphore(%run_scoped3A : memref<!tpu.dma_semaphore, #tpu.memory_space<semaphore_mem>>) src(%arg4 : memref<10240xf32, #tpu.memory_space<hbm>>) dst(%arg12 : memref<10240xf32, #tpu.memory_space<vmem>>)
      tpu.yield
    }) : () -> ()
    %broadcast_in_dim3A = arith.constant 0.000000e+00 : f32
    %broadcast_in_dim3A_5 = vector.broadcast %broadcast_in_dim3A : f32 to vector<16xf32>
    %scan3A = arith.constant 0 : i32
    %scan3A_6 = arith.constant 0 : i32
    %scan3A_7 = arith.constant 320 : i32
    %scan3A_8 = arith.addi %scan3A_6, %scan3A_7 : i32
    %scan3A_9 = arith.constant 1 : i32
    scf.for %scan3A_29 = %scan3A_6 to %scan3A_8 step %scan3A_9  : i32 {
      %mul3A_30 = arith.constant 8 : i32
      %mul3A_31 = arith.muli %scan3A_29, %mul3A_30 : i32
      %add3A_32 = arith.constant 0 : i32
      %add3A_33 = arith.addi %mul3A_31, %add3A_32 : i32
      %mul3A_34 = arith.constant 16 : i32
      %mul3A_35 = arith.muli %add3A_33, %mul3A_34 : i32
      %swap3A = arith.index_cast %mul3A_35 : i32 to index
      %swap3A_36 = tpu.vector_load %arg8[%swap3A] {strides = array<i32>} : memref<40960xf32, #tpu.memory_space<vmem>>, vector<16xf32>,
      tpu.vector_store %arg8[%swap3A], %broadcast_in_dim3A_5 {strides = array<i32>} : memref<40960xf32, #tpu.memory_space<vmem>>, vector<16xf32>,
      %mul3A_37 = arith.constant 8 : i32
      %mul3A_38 = arith.muli %scan3A_29, %mul3A_37 : i32
      %add3A_39 = arith.constant 0 : i32
      %add3A_40 = arith.addi %mul3A_38, %add3A_39 : i32
      %mul3A_41 = arith.constant 16 : i32
      %mul3A_42 = arith.muli %add3A_40, %mul3A_41 : i32
      %swap3A_43 = arith.index_cast %mul3A_42 : i32 to index
      %swap3A_44 = tpu.vector_load %arg9[%swap3A_43] {strides = array<i32>} : memref<40960xf32, #tpu.memory_space<vmem>>, vector<16xf32>,
      tpu.vector_store %arg9[%swap3A_43], %broadcast_in_dim3A_5 {strides = array<i32>} : memref<40960xf32, #tpu.memory_space<vmem>>, vector<16xf32>,
      %mul3A_45 = arith.constant 8 : i32
      %mul3A_46 = arith.muli %scan3A_29, %mul3A_45 : i32
      %add3A_47 = arith.constant 1 : i32
      %add3A_48 = arith.addi %mul3A_46, %add3A_47 : i32
      %mul3A_49 = arith.constant 16 : i32
      %mul3A_50 = arith.muli %add3A_48, %mul3A_49 : i32
      %swap3A_51 = arith.index_cast %mul3A_50 : i32 to index
      %swap3A_52 = tpu.vector_load %arg8[%swap3A_51] {strides = array<i32>} : memref<40960xf32, #tpu.memory_space<vmem>>, vector<16xf32>,
      tpu.vector_store %arg8[%swap3A_51], %broadcast_in_dim3A_5 {strides = array<i32>} : memref<40960xf32, #tpu.memory_space<vmem>>, vector<16xf32>,
      %mul3A_53 = arith.constant 8 : i32
      %mul3A_54 = arith.muli %scan3A_29, %mul3A_53 : i32
      %add3A_55 = arith.constant 1 : i32
      %add3A_56 = arith.addi %mul3A_54, %add3A_55 : i32
      %mul3A_57 = arith.constant 16 : i32
      %mul3A_58 = arith.muli %add3A_56, %mul3A_57 : i32
      %swap3A_59 = arith.index_cast %mul3A_58 : i32 to index
      %swap3A_60 = tpu.vector_load %arg9[%swap3A_59] {strides = array<i32>} : memref<40960xf32, #tpu.memory_space<vmem>>, vector<16xf32>,
      tpu.vector_store %arg9[%swap3A_59], %broadcast_in_dim3A_5 {strides = array<i32>} : memref<40960xf32, #tpu.memory_space<vmem>>, vector<16xf32>,
      %mul3A_61 = arith.constant 8 : i32
      %mul3A_62 = arith.muli %scan3A_29, %mul3A_61 : i32
      %add3A_63 = arith.constant 2 : i32
      %add3A_64 = arith.addi %mul3A_62, %add3A_63 : i32
      %mul3A_65 = arith.constant 16 : i32
      %mul3A_66 = arith.muli %add3A_64, %mul3A_65 : i32
      %swap3A_67 = arith.index_cast %mul3A_66 : i32 to index
      %swap3A_68 = tpu.vector_load %arg8[%swap3A_67] {strides = array<i32>} : memref<40960xf32, #tpu.memory_space<vmem>>, vector<16xf32>,
      tpu.vector_store %arg8[%swap3A_67], %broadcast_in_dim3A_5 {strides = array<i32>} : memref<40960xf32, #tpu.memory_space<vmem>>, vector<16xf32>,
      %mul3A_69 = arith.constant 8 : i32
      %mul3A_70 = arith.muli %scan3A_29, %mul3A_69 : i32
      %add3A_71 = arith.constant 2 : i32
      %add3A_72 = arith.addi %mul3A_70, %add3A_71 : i32
      %mul3A_73 = arith.constant 16 : i32
      %mul3A_74 = arith.muli %add3A_72, %mul3A_73 : i32
      %swap3A_75 = arith.index_cast %mul3A_74 : i32 to index
      %swap3A_76 = tpu.vector_load %arg9[%swap3A_75] {strides = array<i32>} : memref<40960xf32, #tpu.memory_space<vmem>>, vector<16xf32>,
      tpu.vector_store %arg9[%swap3A_75], %broadcast_in_dim3A_5 {strides = array<i32>} : memref<40960xf32, #tpu.memory_space<vmem>>, vector<16xf32>,
      %mul3A_77 = arith.constant 8 : i32
      %mul3A_78 = arith.muli %scan3A_29, %mul3A_77 : i32
      %add3A_79 = arith.constant 3 : i32
      %add3A_80 = arith.addi %mul3A_78, %add3A_79 : i32
      %mul3A_81 = arith.constant 16 : i32
      %mul3A_82 = arith.muli %add3A_80, %mul3A_81 : i32
      %swap3A_83 = arith.index_cast %mul3A_82 : i32 to index
      %swap3A_84 = tpu.vector_load %arg8[%swap3A_83] {strides = array<i32>} : memref<40960xf32, #tpu.memory_space<vmem>>, vector<16xf32>,
      tpu.vector_store %arg8[%swap3A_83], %broadcast_in_dim3A_5 {strides = array<i32>} : memref<40960xf32, #tpu.memory_space<vmem>>, vector<16xf32>,
      %mul3A_85 = arith.constant 8 : i32
      %mul3A_86 = arith.muli %scan3A_29, %mul3A_85 : i32
      %add3A_87 = arith.constant 3 : i32
      %add3A_88 = arith.addi %mul3A_86, %add3A_87 : i32
      %mul3A_89 = arith.constant 16 : i32
      %mul3A_90 = arith.muli %add3A_88, %mul3A_89 : i32
      %swap3A_91 = arith.index_cast %mul3A_90 : i32 to index
      %swap3A_92 = tpu.vector_load %arg9[%swap3A_91] {strides = array<i32>} : memref<40960xf32, #tpu.memory_space<vmem>>, vector<16xf32>,
      tpu.vector_store %arg9[%swap3A_91], %broadcast_in_dim3A_5 {strides = array<i32>} : memref<40960xf32, #tpu.memory_space<vmem>>, vector<16xf32>,
      %mul3A_93 = arith.constant 8 : i32
      %mul3A_94 = arith.muli %scan3A_29, %mul3A_93 : i32
      %add3A_95 = arith.constant 4 : i32
      %add3A_96 = arith.addi %mul3A_94, %add3A_95 : i32
      %mul3A_97 = arith.constant 16 : i32
      %mul3A_98 = arith.muli %add3A_96, %mul3A_97 : i32
      %swap3A_99 = arith.index_cast %mul3A_98 : i32 to index
      %swap3A_100 = tpu.vector_load %arg8[%swap3A_99] {strides = array<i32>} : memref<40960xf32, #tpu.memory_space<vmem>>, vector<16xf32>,
      tpu.vector_store %arg8[%swap3A_99], %broadcast_in_dim3A_5 {strides = array<i32>} : memref<40960xf32, #tpu.memory_space<vmem>>, vector<16xf32>,
      %mul3A_101 = arith.constant 8 : i32
      %mul3A_102 = arith.muli %scan3A_29, %mul3A_101 : i32
      %add3A_103 = arith.constant 4 : i32
      %add3A_104 = arith.addi %mul3A_102, %add3A_103 : i32
      %mul3A_105 = arith.constant 16 : i32
      %mul3A_106 = arith.muli %add3A_104, %mul3A_105 : i32
      %swap3A_107 = arith.index_cast %mul3A_106 : i32 to index
      %swap3A_108 = tpu.vector_load %arg9[%swap3A_107] {strides = array<i32>} : memref<40960xf32, #tpu.memory_space<vmem>>, vector<16xf32>,
      tpu.vector_store %arg9[%swap3A_107], %broadcast_in_dim3A_5 {strides = array<i32>} : memref<40960xf32, #tpu.memory_space<vmem>>, vector<16xf32>,
      %mul3A_109 = arith.constant 8 : i32
      %mul3A_110 = arith.muli %scan3A_29, %mul3A_109 : i32
      %add3A_111 = arith.constant 5 : i32
      %add3A_112 = arith.addi %mul3A_110, %add3A_111 : i32
      %mul3A_113 = arith.constant 16 : i32
      %mul3A_114 = arith.muli %add3A_112, %mul3A_113 : i32
      %swap3A_115 = arith.index_cast %mul3A_114 : i32 to index
      %swap3A_116 = tpu.vector_load %arg8[%swap3A_115] {strides = array<i32>} : memref<40960xf32, #tpu.memory_space<vmem>>, vector<16xf32>,
      tpu.vector_store %arg8[%swap3A_115], %broadcast_in_dim3A_5 {strides = array<i32>} : memref<40960xf32, #tpu.memory_space<vmem>>, vector<16xf32>,
      %mul3A_117 = arith.constant 8 : i32
      %mul3A_118 = arith.muli %scan3A_29, %mul3A_117 : i32
      %add3A_119 = arith.constant 5 : i32
      %add3A_120 = arith.addi %mul3A_118, %add3A_119 : i32
      %mul3A_121 = arith.constant 16 : i32
      %mul3A_122 = arith.muli %add3A_120, %mul3A_121 : i32
      %swap3A_123 = arith.index_cast %mul3A_122 : i32 to index
      %swap3A_124 = tpu.vector_load %arg9[%swap3A_123] {strides = array<i32>} : memref<40960xf32, #tpu.memory_space<vmem>>, vector<16xf32>,
      tpu.vector_store %arg9[%swap3A_123], %broadcast_in_dim3A_5 {strides = array<i32>} : memref<40960xf32, #tpu.memory_space<vmem>>, vector<16xf32>,
      %mul3A_125 = arith.constant 8 : i32
      %mul3A_126 = arith.muli %scan3A_29, %mul3A_125 : i32
      %add3A_127 = arith.constant 6 : i32
      %add3A_128 = arith.addi %mul3A_126, %add3A_127 : i32
      %mul3A_129 = arith.constant 16 : i32
      %mul3A_130 = arith.muli %add3A_128, %mul3A_129 : i32
      %swap3A_131 = arith.index_cast %mul3A_130 : i32 to index
      %swap3A_132 = tpu.vector_load %arg8[%swap3A_131] {strides = array<i32>} : memref<40960xf32, #tpu.memory_space<vmem>>, vector<16xf32>,
      tpu.vector_store %arg8[%swap3A_131], %broadcast_in_dim3A_5 {strides = array<i32>} : memref<40960xf32, #tpu.memory_space<vmem>>, vector<16xf32>,
      %mul3A_133 = arith.constant 8 : i32
      %mul3A_134 = arith.muli %scan3A_29, %mul3A_133 : i32
      %add3A_135 = arith.constant 6 : i32
      %add3A_136 = arith.addi %mul3A_134, %add3A_135 : i32
      %mul3A_137 = arith.constant 16 : i32
      %mul3A_138 = arith.muli %add3A_136, %mul3A_137 : i32
      %swap3A_139 = arith.index_cast %mul3A_138 : i32 to index
      %swap3A_140 = tpu.vector_load %arg9[%swap3A_139] {strides = array<i32>} : memref<40960xf32, #tpu.memory_space<vmem>>, vector<16xf32>,
      tpu.vector_store %arg9[%swap3A_139], %broadcast_in_dim3A_5 {strides = array<i32>} : memref<40960xf32, #tpu.memory_space<vmem>>, vector<16xf32>,
      %mul3A_141 = arith.constant 8 : i32
      %mul3A_142 = arith.muli %scan3A_29, %mul3A_141 : i32
      %add3A_143 = arith.constant 7 : i32
      %add3A_144 = arith.addi %mul3A_142, %add3A_143 : i32
      %mul3A_145 = arith.constant 16 : i32
      %mul3A_146 = arith.muli %add3A_144, %mul3A_145 : i32
      %swap3A_147 = arith.index_cast %mul3A_146 : i32 to index
      %swap3A_148 = tpu.vector_load %arg8[%swap3A_147] {strides = array<i32>} : memref<40960xf32, #tpu.memory_space<vmem>>, vector<16xf32>,
      tpu.vector_store %arg8[%swap3A_147], %broadcast_in_dim3A_5 {strides = array<i32>} : memref<40960xf32, #tpu.memory_space<vmem>>, vector<16xf32>,
      %mul3A_149 = arith.constant 8 : i32
      %mul3A_150 = arith.muli %scan3A_29, %mul3A_149 : i32
      %add3A_151 = arith.constant 7 : i32
      %add3A_152 = arith.addi %mul3A_150, %add3A_151 : i32
      %mul3A_153 = arith.constant 16 : i32
      %mul3A_154 = arith.muli %add3A_152, %mul3A_153 : i32
      %swap3A_155 = arith.index_cast %mul3A_154 : i32 to index
      %swap3A_156 = tpu.vector_load %arg9[%swap3A_155] {strides = array<i32>} : memref<40960xf32, #tpu.memory_space<vmem>>, vector<16xf32>,
      tpu.vector_store %arg9[%swap3A_155], %broadcast_in_dim3A_5 {strides = array<i32>} : memref<40960xf32, #tpu.memory_space<vmem>>, vector<16xf32>,
    }
    %scan3A_10 = arith.constant 320 : i32
    %broadcast_in_dim3A_11 = arith.constant 1.000000e+00 : f32
    %broadcast_in_dim3A_12 = vector.broadcast %broadcast_in_dim3A_11 : f32 to vector<16xf32>
    %iota3A = tpu.iota {dimensions = array<i32: 0>} : vector<16xi32>
    %scan3A_13 = arith.constant 0 : i32
    %scan3A_14 = arith.constant 0 : i32
    %scan3A_15 = arith.constant 160 : i32
    %scan3A_16 = arith.addi %scan3A_14, %scan3A_15 : i32
    %scan3A_17 = arith.constant 1 : i32
    scf.for %scan3A_29 = %scan3A_14 to %scan3A_16 step %scan3A_17  : i32 {
      %mul3A_30 = arith.constant 4 : i32
      %mul3A_31 = arith.muli %scan3A_29, %mul3A_30 : i32
      %add3A_32 = arith.constant 0 : i32
      %add3A_33 = arith.addi %mul3A_31, %add3A_32 : i32
      %mul3A_34 = arith.constant 16 : i32
      %mul3A_35 = arith.muli %add3A_33, %mul3A_34 : i32
      %get3A = arith.index_cast %mul3A_35 : i32 to index
      %get3A_36 = tpu.vector_load %arg10[%get3A] {strides = array<i32>} : memref<10240xi32, #tpu.memory_space<vmem>>, vector<16xi32>,
      %mul3A_37 = arith.constant 16 : i32
      %mul3A_38 = arith.muli %add3A_33, %mul3A_37 : i32
      %get3A_39 = arith.index_cast %mul3A_38 : i32 to index
      %get3A_40 = tpu.vector_load %arg11[%get3A_39] {strides = array<i32>} : memref<10240xi32, #tpu.memory_space<vmem>>, vector<16xi32>,
      %mul3A_41 = arith.constant 16 : i32
      %mul3A_42 = arith.muli %add3A_33, %mul3A_41 : i32
      %add3A_43 = vector.broadcast %mul3A_42 : i32 to vector<16xi32>
      %add3A_44 = arith.addi %add3A_43, %iota3A : vector<16xi32>
      %lt3A = arith.constant 10000 : i32
      %lt3A_45 = vector.broadcast %lt3A : i32 to vector<16xi32>
      %lt3A_46 = arith.cmpi slt, %add3A_44, %lt3A_45 : vector<16xi32>
      %sub3A = vector.broadcast %mul3A_2 : i32 to vector<16xi32>
      %sub3A_47 = arith.subi %get3A_36, %sub3A : vector<16xi32>
      %ge3A = arith.constant 0 : i32
      %ge3A_48 = vector.broadcast %ge3A : i32 to vector<16xi32>
      %ge3A_49 = arith.cmpi sge, %sub3A_47, %ge3A_48 : vector<16xi32>
      %and3A = arith.andi %lt3A_46, %ge3A_49 : vector<16xi1>
      %lt3A_50 = arith.constant 320 : i32
      %lt3A_51 = vector.broadcast %lt3A_50 : i32 to vector<16xi32>
      %lt3A_52 = arith.cmpi slt, %sub3A_47, %lt3A_51 : vector<16xi32>
      %and3A_53 = arith.andi %and3A, %lt3A_52 : vector<16xi1>
      %jit3A = arith.constant 0 : i32
      %jit3A_54 = arith.constant 319 : i32
      %max3A = vector.broadcast %jit3A : i32 to vector<16xi32>
      %max3A_55 = arith.maxsi %max3A, %sub3A_47 : vector<16xi32>
      %min3A = vector.broadcast %jit3A_54 : i32 to vector<16xi32>
      %min3A_56 = arith.minsi %min3A, %max3A_55 : vector<16xi32>
      %mul3A_57 = arith.constant 128 : i32
      %mul3A_58 = vector.broadcast %mul3A_57 : i32 to vector<16xi32>
      %mul3A_59 = arith.muli %min3A_56, %mul3A_58 : vector<16xi32>
      %and3A_60 = arith.constant 127 : i32
      %and3A_61 = vector.broadcast %and3A_60 : i32 to vector<16xi32>
      %and3A_62 = arith.andi %get3A_40, %and3A_61 : vector<16xi32>
      %add3A_63 = arith.addi %mul3A_59, %and3A_62 : vector<16xi32>
      %lt3A_64 = arith.constant 128 : i32
      %lt3A_65 = vector.broadcast %lt3A_64 : i32 to vector<16xi32>
      %lt3A_66 = arith.cmpi slt, %get3A_40, %lt3A_65 : vector<16xi32>
      %and3A_67 = arith.andi %and3A_53, %lt3A_66 : vector<16xi1>
      tpu.vector_store_idx %arg8[%add3A_63], %broadcast_in_dim3A_12 masked %and3A_67 : memref<40960xf32, #tpu.memory_space<vmem>>[vector<16xi32>], vector<16xf32>, vector<16xi1>
      %ge3A_68 = arith.constant 128 : i32
      %ge3A_69 = vector.broadcast %ge3A_68 : i32 to vector<16xi32>
      %ge3A_70 = arith.cmpi sge, %get3A_40, %ge3A_69 : vector<16xi32>
      %and3A_71 = arith.andi %and3A_53, %ge3A_70 : vector<16xi1>
      tpu.vector_store_idx %arg9[%add3A_63], %broadcast_in_dim3A_12 masked %and3A_71 : memref<40960xf32, #tpu.memory_space<vmem>>[vector<16xi32>], vector<16xf32>, vector<16xi1>
      %mul3A_72 = arith.constant 4 : i32
      %mul3A_73 = arith.muli %scan3A_29, %mul3A_72 : i32
      %add3A_74 = arith.constant 1 : i32
      %add3A_75 = arith.addi %mul3A_73, %add3A_74 : i32
      %mul3A_76 = arith.constant 16 : i32
      %mul3A_77 = arith.muli %add3A_75, %mul3A_76 : i32
      %get3A_78 = arith.index_cast %mul3A_77 : i32 to index
      %get3A_79 = tpu.vector_load %arg10[%get3A_78] {strides = array<i32>} : memref<10240xi32, #tpu.memory_space<vmem>>, vector<16xi32>,
      %mul3A_80 = arith.constant 16 : i32
      %mul3A_81 = arith.muli %add3A_75, %mul3A_80 : i32
      %get3A_82 = arith.index_cast %mul3A_81 : i32 to index
      %get3A_83 = tpu.vector_load %arg11[%get3A_82] {strides = array<i32>} : memref<10240xi32, #tpu.memory_space<vmem>>, vector<16xi32>,
      %mul3A_84 = arith.constant 16 : i32
      %mul3A_85 = arith.muli %add3A_75, %mul3A_84 : i32
      %add3A_86 = vector.broadcast %mul3A_85 : i32 to vector<16xi32>
      %add3A_87 = arith.addi %add3A_86, %iota3A : vector<16xi32>
      %lt3A_88 = arith.constant 10000 : i32
      %lt3A_89 = vector.broadcast %lt3A_88 : i32 to vector<16xi32>
      %lt3A_90 = arith.cmpi slt, %add3A_87, %lt3A_89 : vector<16xi32>
      %sub3A_91 = vector.broadcast %mul3A_2 : i32 to vector<16xi32>
      %sub3A_92 = arith.subi %get3A_79, %sub3A_91 : vector<16xi32>
      %ge3A_93 = arith.constant 0 : i32
      %ge3A_94 = vector.broadcast %ge3A_93 : i32 to vector<16xi32>
      %ge3A_95 = arith.cmpi sge, %sub3A_92, %ge3A_94 : vector<16xi32>
      %and3A_96 = arith.andi %lt3A_90, %ge3A_95 : vector<16xi1>
      %lt3A_97 = arith.constant 320 : i32
      %lt3A_98 = vector.broadcast %lt3A_97 : i32 to vector<16xi32>
      %lt3A_99 = arith.cmpi slt, %sub3A_92, %lt3A_98 : vector<16xi32>
      %and3A_100 = arith.andi %and3A_96, %lt3A_99 : vector<16xi1>
      %jit3A_101 = arith.constant 0 : i32
      %jit3A_102 = arith.constant 319 : i32
      %max3A_103 = vector.broadcast %jit3A_101 : i32 to vector<16xi32>
      %max3A_104 = arith.maxsi %max3A_103, %sub3A_92 : vector<16xi32>
      %min3A_105 = vector.broadcast %jit3A_102 : i32 to vector<16xi32>
      %min3A_106 = arith.minsi %min3A_105, %max3A_104 : vector<16xi32>
      %mul3A_107 = arith.constant 128 : i32
      %mul3A_108 = vector.broadcast %mul3A_107 : i32 to vector<16xi32>
      %mul3A_109 = arith.muli %min3A_106, %mul3A_108 : vector<16xi32>
      %and3A_110 = arith.constant 127 : i32
      %and3A_111 = vector.broadcast %and3A_110 : i32 to vector<16xi32>
      %and3A_112 = arith.andi %get3A_83, %and3A_111 : vector<16xi32>
      %add3A_113 = arith.addi %mul3A_109, %and3A_112 : vector<16xi32>
      %lt3A_114 = arith.constant 128 : i32
      %lt3A_115 = vector.broadcast %lt3A_114 : i32 to vector<16xi32>
      %lt3A_116 = arith.cmpi slt, %get3A_83, %lt3A_115 : vector<16xi32>
      %and3A_117 = arith.andi %and3A_100, %lt3A_116 : vector<16xi1>
      tpu.vector_store_idx %arg8[%add3A_113], %broadcast_in_dim3A_12 masked %and3A_117 : memref<40960xf32, #tpu.memory_space<vmem>>[vector<16xi32>], vector<16xf32>, vector<16xi1>
      %ge3A_118 = arith.constant 128 : i32
      %ge3A_119 = vector.broadcast %ge3A_118 : i32 to vector<16xi32>
      %ge3A_120 = arith.cmpi sge, %get3A_83, %ge3A_119 : vector<16xi32>
      %and3A_121 = arith.andi %and3A_100, %ge3A_120 : vector<16xi1>
      tpu.vector_store_idx %arg9[%add3A_113], %broadcast_in_dim3A_12 masked %and3A_121 : memref<40960xf32, #tpu.memory_space<vmem>>[vector<16xi32>], vector<16xf32>, vector<16xi1>
      %mul3A_122 = arith.constant 4 : i32
      %mul3A_123 = arith.muli %scan3A_29, %mul3A_122 : i32
      %add3A_124 = arith.constant 2 : i32
      %add3A_125 = arith.addi %mul3A_123, %add3A_124 : i32
      %mul3A_126 = arith.constant 16 : i32
      %mul3A_127 = arith.muli %add3A_125, %mul3A_126 : i32
      %get3A_128 = arith.index_cast %mul3A_127 : i32 to index
      %get3A_129 = tpu.vector_load %arg10[%get3A_128] {strides = array<i32>} : memref<10240xi32, #tpu.memory_space<vmem>>, vector<16xi32>,
      %mul3A_130 = arith.constant 16 : i32
      %mul3A_131 = arith.muli %add3A_125, %mul3A_130 : i32
      %get3A_132 = arith.index_cast %mul3A_131 : i32 to index
      %get3A_133 = tpu.vector_load %arg11[%get3A_132] {strides = array<i32>} : memref<10240xi32, #tpu.memory_space<vmem>>, vector<16xi32>,
      %mul3A_134 = arith.constant 16 : i32
      %mul3A_135 = arith.muli %add3A_125, %mul3A_134 : i32
      %add3A_136 = vector.broadcast %mul3A_135 : i32 to vector<16xi32>
      %add3A_137 = arith.addi %add3A_136, %iota3A : vector<16xi32>
      %lt3A_138 = arith.constant 10000 : i32
      %lt3A_139 = vector.broadcast %lt3A_138 : i32 to vector<16xi32>
      %lt3A_140 = arith.cmpi slt, %add3A_137, %lt3A_139 : vector<16xi32>
      %sub3A_141 = vector.broadcast %mul3A_2 : i32 to vector<16xi32>
      %sub3A_142 = arith.subi %get3A_129, %sub3A_141 : vector<16xi32>
      %ge3A_143 = arith.constant 0 : i32
      %ge3A_144 = vector.broadcast %ge3A_143 : i32 to vector<16xi32>
      %ge3A_145 = arith.cmpi sge, %sub3A_142, %ge3A_144 : vector<16xi32>
      %and3A_146 = arith.andi %lt3A_140, %ge3A_145 : vector<16xi1>
      %lt3A_147 = arith.constant 320 : i32
      %lt3A_148 = vector.broadcast %lt3A_147 : i32 to vector<16xi32>
      %lt3A_149 = arith.cmpi slt, %sub3A_142, %lt3A_148 : vector<16xi32>
      %and3A_150 = arith.andi %and3A_146, %lt3A_149 : vector<16xi1>
      %jit3A_151 = arith.constant 0 : i32
      %jit3A_152 = arith.constant 319 : i32
      %max3A_153 = vector.broadcast %jit3A_151 : i32 to vector<16xi32>
      %max3A_154 = arith.maxsi %max3A_153, %sub3A_142 : vector<16xi32>
      %min3A_155 = vector.broadcast %jit3A_152 : i32 to vector<16xi32>
      %min3A_156 = arith.minsi %min3A_155, %max3A_154 : vector<16xi32>
      %mul3A_157 = arith.constant 128 : i32
      %mul3A_158 = vector.broadcast %mul3A_157 : i32 to vector<16xi32>
      %mul3A_159 = arith.muli %min3A_156, %mul3A_158 : vector<16xi32>
      %and3A_160 = arith.constant 127 : i32
      %and3A_161 = vector.broadcast %and3A_160 : i32 to vector<16xi32>
      %and3A_162 = arith.andi %get3A_133, %and3A_161 : vector<16xi32>
      %add3A_163 = arith.addi %mul3A_159, %and3A_162 : vector<16xi32>
      %lt3A_164 = arith.constant 128 : i32
      %lt3A_165 = vector.broadcast %lt3A_164 : i32 to vector<16xi32>
      %lt3A_166 = arith.cmpi slt, %get3A_133, %lt3A_165 : vector<16xi32>
      %and3A_167 = arith.andi %and3A_150, %lt3A_166 : vector<16xi1>
      tpu.vector_store_idx %arg8[%add3A_163], %broadcast_in_dim3A_12 masked %and3A_167 : memref<40960xf32, #tpu.memory_space<vmem>>[vector<16xi32>], vector<16xf32>, vector<16xi1>
      %ge3A_168 = arith.constant 128 : i32
      %ge3A_169 = vector.broadcast %ge3A_168 : i32 to vector<16xi32>
      %ge3A_170 = arith.cmpi sge, %get3A_133, %ge3A_169 : vector<16xi32>
      %and3A_171 = arith.andi %and3A_150, %ge3A_170 : vector<16xi1>
      tpu.vector_store_idx %arg9[%add3A_163], %broadcast_in_dim3A_12 masked %and3A_171 : memref<40960xf32, #tpu.memory_space<vmem>>[vector<16xi32>], vector<16xf32>, vector<16xi1>
      %mul3A_172 = arith.constant 4 : i32
      %mul3A_173 = arith.muli %scan3A_29, %mul3A_172 : i32
      %add3A_174 = arith.constant 3 : i32
      %add3A_175 = arith.addi %mul3A_173, %add3A_174 : i32
      %mul3A_176 = arith.constant 16 : i32
      %mul3A_177 = arith.muli %add3A_175, %mul3A_176 : i32
      %get3A_178 = arith.index_cast %mul3A_177 : i32 to index
      %get3A_179 = tpu.vector_load %arg10[%get3A_178] {strides = array<i32>} : memref<10240xi32, #tpu.memory_space<vmem>>, vector<16xi32>,
      %mul3A_180 = arith.constant 16 : i32
      %mul3A_181 = arith.muli %add3A_175, %mul3A_180 : i32
      %get3A_182 = arith.index_cast %mul3A_181 : i32 to index
      %get3A_183 = tpu.vector_load %arg11[%get3A_182] {strides = array<i32>} : memref<10240xi32, #tpu.memory_space<vmem>>, vector<16xi32>,
      %mul3A_184 = arith.constant 16 : i32
      %mul3A_185 = arith.muli %add3A_175, %mul3A_184 : i32
      %add3A_186 = vector.broadcast %mul3A_185 : i32 to vector<16xi32>
      %add3A_187 = arith.addi %add3A_186, %iota3A : vector<16xi32>
      %lt3A_188 = arith.constant 10000 : i32
      %lt3A_189 = vector.broadcast %lt3A_188 : i32 to vector<16xi32>
      %lt3A_190 = arith.cmpi slt, %add3A_187, %lt3A_189 : vector<16xi32>
      %sub3A_191 = vector.broadcast %mul3A_2 : i32 to vector<16xi32>
      %sub3A_192 = arith.subi %get3A_179, %sub3A_191 : vector<16xi32>
      %ge3A_193 = arith.constant 0 : i32
      %ge3A_194 = vector.broadcast %ge3A_193 : i32 to vector<16xi32>
      %ge3A_195 = arith.cmpi sge, %sub3A_192, %ge3A_194 : vector<16xi32>
      %and3A_196 = arith.andi %lt3A_190, %ge3A_195 : vector<16xi1>
      %lt3A_197 = arith.constant 320 : i32
      %lt3A_198 = vector.broadcast %lt3A_197 : i32 to vector<16xi32>
      %lt3A_199 = arith.cmpi slt, %sub3A_192, %lt3A_198 : vector<16xi32>
      %and3A_200 = arith.andi %and3A_196, %lt3A_199 : vector<16xi1>
      %jit3A_201 = arith.constant 0 : i32
      %jit3A_202 = arith.constant 319 : i32
      %max3A_203 = vector.broadcast %jit3A_201 : i32 to vector<16xi32>
      %max3A_204 = arith.maxsi %max3A_203, %sub3A_192 : vector<16xi32>
      %min3A_205 = vector.broadcast %jit3A_202 : i32 to vector<16xi32>
      %min3A_206 = arith.minsi %min3A_205, %max3A_204 : vector<16xi32>
      %mul3A_207 = arith.constant 128 : i32
      %mul3A_208 = vector.broadcast %mul3A_207 : i32 to vector<16xi32>
      %mul3A_209 = arith.muli %min3A_206, %mul3A_208 : vector<16xi32>
      %and3A_210 = arith.constant 127 : i32
      %and3A_211 = vector.broadcast %and3A_210 : i32 to vector<16xi32>
      %and3A_212 = arith.andi %get3A_183, %and3A_211 : vector<16xi32>
      %add3A_213 = arith.addi %mul3A_209, %and3A_212 : vector<16xi32>
      %lt3A_214 = arith.constant 128 : i32
      %lt3A_215 = vector.broadcast %lt3A_214 : i32 to vector<16xi32>
      %lt3A_216 = arith.cmpi slt, %get3A_183, %lt3A_215 : vector<16xi32>
      %and3A_217 = arith.andi %and3A_200, %lt3A_216 : vector<16xi1>
      tpu.vector_store_idx %arg8[%add3A_213], %broadcast_in_dim3A_12 masked %and3A_217 : memref<40960xf32, #tpu.memory_space<vmem>>[vector<16xi32>], vector<16xf32>, vector<16xi1>
      %ge3A_218 = arith.constant 128 : i32
      %ge3A_219 = vector.broadcast %ge3A_218 : i32 to vector<16xi32>
      %ge3A_220 = arith.cmpi sge, %get3A_183, %ge3A_219 : vector<16xi32>
      %and3A_221 = arith.andi %and3A_200, %ge3A_220 : vector<16xi1>
      tpu.vector_store_idx %arg9[%add3A_213], %broadcast_in_dim3A_12 masked %and3A_221 : memref<40960xf32, #tpu.memory_space<vmem>>[vector<16xi32>], vector<16xf32>, vector<16xi1>
    }
    %scan3A_18 = arith.constant 160 : i32
    %scan3A_19 = arith.constant 0 : i32
    %scan3A_20 = arith.constant 0 : i32
    %scan3A_21 = arith.constant 5 : i32
    %scan3A_22 = arith.addi %scan3A_20, %scan3A_21 : i32
    %scan3A_23 = arith.constant 1 : i32
    scf.for %scan3A_29 = %scan3A_20 to %scan3A_22 step %scan3A_23  : i32 {
      %mul3A_30 = arith.constant 4 : i32
      %mul3A_31 = arith.muli %scan3A_29, %mul3A_30 : i32
      %add3A_32 = arith.constant 0 : i32
      %add3A_33 = arith.addi %mul3A_31, %add3A_32 : i32
      %mul3A_34 = arith.constant 16 : i32
      %mul3A_35 = arith.muli %add3A_33, %mul3A_34 : i32
      %add3A_36 = arith.addi %mul3A_4, %mul3A_35 : i32
      %get3A = arith.index_cast %add3A_36 : i32 to index
      %get3A_37 = tpu.vector_load %arg10[%get3A] {strides = array<i32>} : memref<10240xi32, #tpu.memory_space<vmem>>, vector<16xi32>,
      %gather3A = tpu.vector_load_idx %arg12[%get3A_37] : memref<10240xf32, #tpu.memory_space<vmem>>[vector<16xi32>], vector<16xf32>,
      %mul3A_38 = arith.constant 16 : i32
      %mul3A_39 = arith.muli %add3A_33, %mul3A_38 : i32
      %swap3A = arith.index_cast %mul3A_39 : i32 to index
      %swap3A_40 = tpu.vector_load %arg13[%swap3A] {strides = array<i32>} : memref<320xf32, #tpu.memory_space<vmem>>, vector<16xf32>,
      tpu.vector_store %arg13[%swap3A], %gather3A {strides = array<i32>} : memref<320xf32, #tpu.memory_space<vmem>>, vector<16xf32>,
      %mul3A_41 = arith.constant 4 : i32
      %mul3A_42 = arith.muli %scan3A_29, %mul3A_41 : i32
      %add3A_43 = arith.constant 1 : i32
      %add3A_44 = arith.addi %mul3A_42, %add3A_43 : i32
      %mul3A_45 = arith.constant 16 : i32
      %mul3A_46 = arith.muli %add3A_44, %mul3A_45 : i32
      %add3A_47 = arith.addi %mul3A_4, %mul3A_46 : i32
      %get3A_48 = arith.index_cast %add3A_47 : i32 to index
      %get3A_49 = tpu.vector_load %arg10[%get3A_48] {strides = array<i32>} : memref<10240xi32, #tpu.memory_space<vmem>>, vector<16xi32>,
      %gather3A_50 = tpu.vector_load_idx %arg12[%get3A_49] : memref<10240xf32, #tpu.memory_space<vmem>>[vector<16xi32>], vector<16xf32>,
      %mul3A_51 = arith.constant 16 : i32
      %mul3A_52 = arith.muli %add3A_44, %mul3A_51 : i32
      %swap3A_53 = arith.index_cast %mul3A_52 : i32 to index
      %swap3A_54 = tpu.vector_load %arg13[%swap3A_53] {strides = array<i32>} : memref<320xf32, #tpu.memory_space<vmem>>, vector<16xf32>,
      tpu.vector_store %arg13[%swap3A_53], %gather3A_50 {strides = array<i32>} : memref<320xf32, #tpu.memory_space<vmem>>, vector<16xf32>,
      %mul3A_55 = arith.constant 4 : i32
      %mul3A_56 = arith.muli %scan3A_29, %mul3A_55 : i32
      %add3A_57 = arith.constant 2 : i32
      %add3A_58 = arith.addi %mul3A_56, %add3A_57 : i32
      %mul3A_59 = arith.constant 16 : i32
      %mul3A_60 = arith.muli %add3A_58, %mul3A_59 : i32
      %add3A_61 = arith.addi %mul3A_4, %mul3A_60 : i32
      %get3A_62 = arith.index_cast %add3A_61 : i32 to index
      %get3A_63 = tpu.vector_load %arg10[%get3A_62] {strides = array<i32>} : memref<10240xi32, #tpu.memory_space<vmem>>, vector<16xi32>,
      %gather3A_64 = tpu.vector_load_idx %arg12[%get3A_63] : memref<10240xf32, #tpu.memory_space<vmem>>[vector<16xi32>], vector<16xf32>,
      %mul3A_65 = arith.constant 16 : i32
      %mul3A_66 = arith.muli %add3A_58, %mul3A_65 : i32
      %swap3A_67 = arith.index_cast %mul3A_66 : i32 to index
      %swap3A_68 = tpu.vector_load %arg13[%swap3A_67] {strides = array<i32>} : memref<320xf32, #tpu.memory_space<vmem>>, vector<16xf32>,
      tpu.vector_store %arg13[%swap3A_67], %gather3A_64 {strides = array<i32>} : memref<320xf32, #tpu.memory_space<vmem>>, vector<16xf32>,
      %mul3A_69 = arith.constant 4 : i32
      %mul3A_70 = arith.muli %scan3A_29, %mul3A_69 : i32
      %add3A_71 = arith.constant 3 : i32
      %add3A_72 = arith.addi %mul3A_70, %add3A_71 : i32
      %mul3A_73 = arith.constant 16 : i32
      %mul3A_74 = arith.muli %add3A_72, %mul3A_73 : i32
      %add3A_75 = arith.addi %mul3A_4, %mul3A_74 : i32
      %get3A_76 = arith.index_cast %add3A_75 : i32 to index
      %get3A_77 = tpu.vector_load %arg10[%get3A_76] {strides = array<i32>} : memref<10240xi32, #tpu.memory_space<vmem>>, vector<16xi32>,
      %gather3A_78 = tpu.vector_load_idx %arg12[%get3A_77] : memref<10240xf32, #tpu.memory_space<vmem>>[vector<16xi32>], vector<16xf32>,
      %mul3A_79 = arith.constant 16 : i32
      %mul3A_80 = arith.muli %add3A_72, %mul3A_79 : i32
      %swap3A_81 = arith.index_cast %mul3A_80 : i32 to index
      %swap3A_82 = tpu.vector_load %arg13[%swap3A_81] {strides = array<i32>} : memref<320xf32, #tpu.memory_space<vmem>>, vector<16xf32>,
      tpu.vector_store %arg13[%swap3A_81], %gather3A_78 {strides = array<i32>} : memref<320xf32, #tpu.memory_space<vmem>>, vector<16xf32>,
    }
    %scan3A_24 = arith.constant 5 : i32
    %mul3A_25 = arith.constant 128 : i32
    %mul3A_26 = arith.muli %mul3A_2, %mul3A_25 : i32
    "tpu.region"() ({
      %run_scoped3A = tpu.sem_alloc : memref<!tpu.dma_semaphore, #tpu.memory_space<semaphore_mem>>
      %dma_start3A = tpu.memref_slice %arg5[%mul3A_26] : memref<1310720xf32, #tpu.memory_space<hbm>> -> memref<40960xf32, #tpu.memory_space<hbm>>
      %dma_start3A_29 = tpu.memref_slice %arg5[%mul3A_26] : memref<1310720xf32, #tpu.memory_space<hbm>> -> memref<40960xf32, #tpu.memory_space<hbm>>
      tpu.enqueue_dma source(%arg8 : memref<40960xf32, #tpu.memory_space<vmem>>) target(%dma_start3A_29 : memref<40960xf32, #tpu.memory_space<hbm>>) target_semaphore(%run_scoped3A : memref<!tpu.dma_semaphore, #tpu.memory_space<semaphore_mem>>)
      %dma_wait3A = tpu.memref_slice %arg5[%mul3A_26] : memref<1310720xf32, #tpu.memory_space<hbm>> -> memref<40960xf32, #tpu.memory_space<hbm>>
      %dma_wait3A_30 = tpu.memref_slice %arg5[%mul3A_26] : memref<1310720xf32, #tpu.memory_space<hbm>> -> memref<40960xf32, #tpu.memory_space<hbm>>
      tpu.wait_dma2 semaphore(%run_scoped3A : memref<!tpu.dma_semaphore, #tpu.memory_space<semaphore_mem>>) src(%arg8 : memref<40960xf32, #tpu.memory_space<vmem>>) dst(%dma_wait3A_30 : memref<40960xf32, #tpu.memory_space<hbm>>)
      tpu.yield
    }) : () -> ()
    %mul3A_27 = arith.constant 128 : i32
    %mul3A_28 = arith.muli %mul3A_2, %mul3A_27 : i32
    "tpu.region"() ({
      %run_scoped3A = tpu.sem_alloc : memref<!tpu.dma_semaphore, #tpu.memory_space<semaphore_mem>>
      %dma_start3A = tpu.memref_slice %arg6[%mul3A_28] : memref<1310720xf32, #tpu.memory_space<hbm>> -> memref<40960xf32, #tpu.memory_space<hbm>>
      %dma_start3A_29 = tpu.memref_slice %arg6[%mul3A_28] : memref<1310720xf32, #tpu.memory_space<hbm>> -> memref<40960xf32, #tpu.memory_space<hbm>>
      tpu.enqueue_dma source(%arg9 : memref<40960xf32, #tpu.memory_space<vmem>>) target(%dma_start3A_29 : memref<40960xf32, #tpu.memory_space<hbm>>) target_semaphore(%run_scoped3A : memref<!tpu.dma_semaphore, #tpu.memory_space<semaphore_mem>>)
      %dma_wait3A = tpu.memref_slice %arg6[%mul3A_28] : memref<1310720xf32, #tpu.memory_space<hbm>> -> memref<40960xf32, #tpu.memory_space<hbm>>
      %dma_wait3A_30 = tpu.memref_slice %arg6[%mul3A_28] : memref<1310720xf32, #tpu.memory_space<hbm>> -> memref<40960xf32, #tpu.memory_space<hbm>>
      tpu.wait_dma2 semaphore(%run_scoped3A : memref<!tpu.dma_semaphore, #tpu.memory_space<semaphore_mem>>) src(%arg9 : memref<40960xf32, #tpu.memory_space<vmem>>) dst(%dma_wait3A_30 : memref<40960xf32, #tpu.memory_space<hbm>>)
      tpu.yield
    }) : () -> ()
    "tpu.region"() ({
      %run_scoped3A = tpu.sem_alloc : memref<!tpu.dma_semaphore, #tpu.memory_space<semaphore_mem>>
      %dma_start3A = tpu.memref_slice %arg7[%mul3A_4] : memref<10240xf32, #tpu.memory_space<hbm>> -> memref<320xf32, #tpu.memory_space<hbm>>
      %dma_start3A_29 = tpu.memref_slice %arg7[%mul3A_4] : memref<10240xf32, #tpu.memory_space<hbm>> -> memref<320xf32, #tpu.memory_space<hbm>>
      tpu.enqueue_dma source(%arg13 : memref<320xf32, #tpu.memory_space<vmem>>) target(%dma_start3A_29 : memref<320xf32, #tpu.memory_space<hbm>>) target_semaphore(%run_scoped3A : memref<!tpu.dma_semaphore, #tpu.memory_space<semaphore_mem>>)
      %dma_wait3A = tpu.memref_slice %arg7[%mul3A_4] : memref<10240xf32, #tpu.memory_space<hbm>> -> memref<320xf32, #tpu.memory_space<hbm>>
      %dma_wait3A_30 = tpu.memref_slice %arg7[%mul3A_4] : memref<10240xf32, #tpu.memory_space<hbm>> -> memref<320xf32, #tpu.memory_space<hbm>>
      tpu.wait_dma2 semaphore(%run_scoped3A : memref<!tpu.dma_semaphore, #tpu.memory_space<semaphore_mem>>) src(%arg13 : memref<320xf32, #tpu.memory_space<vmem>>) dst(%dma_wait3A_30 : memref<320xf32, #tpu.memory_space<hbm>>)
      tpu.yield
    }) : () -> ()
    return
  }
}

module attributes {stable_mosaic.version = 14 : i64} {
  func.func @_tc_body(%arg0: memref<10240x8xf32, #tpu.memory_space<vmem>>, %arg1: memref<10x1024xf32, #tpu.memory_space<vmem>>, %arg2: memref<10x1024xi32, #tpu.memory_space<vmem>>, %arg3: memref<10x1024xi32, #tpu.memory_space<vmem>>, %arg4: memref<80x128xi32, #tpu.memory_space<vmem>>, %arg5: memref<80x128xi32, #tpu.memory_space<vmem>>, %arg6: memref<80x128xf32, #tpu.memory_space<vmem>>, %arg7: memref<10240x128xf32, #tpu.memory_space<vmem>>, %arg8: memref<10240x128xf32, #tpu.memory_space<vmem>>, %arg9: memref<8x128xf32, #tpu.memory_space<vmem>>) attributes {dimension_semantics = [], scalar_prefetch = 0 : i64, scratch_operands = 0 : i64, tpu.core_type = #tpu.core_type<tc>} {
    %iota3A = tpu.iota {dimensions = array<i32: 0>} : vector<256x1xi32>
    %iota3A_0 = tpu.iota {dimensions = array<i32: 1>} : vector<1x128xi32>
    %iota3A_1 = tpu.iota {dimensions = array<i32: 1>} : vector<1x1024xi32>
    %iota3A_2 = tpu.iota {dimensions = array<i32: 0>} : vector<10x1024xi32>
    %iota3A_3 = tpu.iota {dimensions = array<i32: 1>} : vector<10x1024xi32>
    %mul3A = arith.constant 1024 : i32
    %mul3A_4 = vector.broadcast %mul3A : i32 to vector<10x1024xi32>
    %mul3A_5 = arith.muli %iota3A_2, %mul3A_4 : vector<10x1024xi32>
    %add3A = arith.addi %mul3A_5, %iota3A_3 : vector<10x1024xi32>
    %lt3A = arith.constant 10000 : i32
    %lt3A_6 = vector.broadcast %lt3A : i32 to vector<10x1024xi32>
    %lt3A_7 = arith.cmpi slt, %add3A, %lt3A_6 : vector<10x1024xi32>
    %get3A = arith.constant 0 : index
    %get3A_8 = arith.constant 0 : index
    %get3A_9 = vector.load %arg2[%get3A, %get3A_8] : memref<10x1024xi32, #tpu.memory_space<vmem>>, vector<10x1024xi32>
    %get3A_10 = arith.constant 0 : index
    %get3A_11 = arith.constant 0 : index
    %get3A_12 = vector.load %arg3[%get3A_10, %get3A_11] : memref<10x1024xi32, #tpu.memory_space<vmem>>, vector<10x1024xi32>
    %get3A_13 = arith.constant 0 : index
    %get3A_14 = arith.constant 0 : index
    %get3A_15 = vector.load %arg1[%get3A_13, %get3A_14] : memref<10x1024xf32, #tpu.memory_space<vmem>>, vector<10x1024xf32>
    %eq3A = arith.constant -1 : i32
    %eq3A_16 = vector.broadcast %eq3A : i32 to vector<10x1024xi32>
    %eq3A_17 = arith.cmpi eq, %get3A_9, %eq3A_16 : vector<10x1024xi32>
    %ge3A = arith.constant 0 : i32
    %ge3A_18 = vector.broadcast %ge3A : i32 to vector<10x1024xi32>
    %ge3A_19 = arith.cmpi sge, %get3A_12, %ge3A_18 : vector<10x1024xi32>
    %and3A = arith.andi %eq3A_17, %ge3A_19 : vector<10x1024xi1>
    %and3A_20 = arith.andi %and3A, %lt3A_7 : vector<10x1024xi1>
    %jit3A = arith.constant 1.000000e+00 : f32
    %jit3A_21 = arith.constant 0.000000e+00 : f32
    %broadcast_in_dim3A = vector.broadcast %jit3A : f32 to vector<10x1024xf32>
    %broadcast_in_dim3A_22 = vector.broadcast %jit3A_21 : f32 to vector<10x1024xf32>
    %select_n3A = arith.select %and3A_20, %broadcast_in_dim3A, %broadcast_in_dim3A_22 : vector<10x1024xi1>, vector<10x1024xf32>
    %reduce_sum3A = vector.shape_cast %select_n3A : vector<10x1024xf32> to vector<1x10x1024xf32>
    %reduce_sum3A_23 = arith.constant dense<0.000000e+00> : vector<1xf32>
    %reduce_sum3A_24 = vector.multi_reduction <add>, %reduce_sum3A, %reduce_sum3A_23 [1, 2] : vector<1x10x1024xf32> to vector<1xf32>
    %reduce_sum3A_25 = vector.shape_cast %reduce_sum3A_24 : vector<1xf32> to vector<1x1x1xf32>
    %reduce_sum3A_26 = vector.extract %reduce_sum3A_25[0, 0, 0] : f32 from vector<1x1x1xf32>
    %jit3A_27 = arith.constant 0.000000e+00 : f32
    %broadcast_in_dim3A_28 = vector.broadcast %jit3A_27 : f32 to vector<10x1024xf32>
    %select_n3A_29 = arith.select %and3A_20, %get3A_15, %broadcast_in_dim3A_28 : vector<10x1024xi1>, vector<10x1024xf32>
    %reduce_sum3A_30 = vector.shape_cast %select_n3A_29 : vector<10x1024xf32> to vector<1x10x1024xf32>
    %reduce_sum3A_31 = arith.constant dense<0.000000e+00> : vector<1xf32>
    %reduce_sum3A_32 = vector.multi_reduction <add>, %reduce_sum3A_30, %reduce_sum3A_31 [1, 2] : vector<1x10x1024xf32> to vector<1xf32>
    %reduce_sum3A_33 = vector.shape_cast %reduce_sum3A_32 : vector<1xf32> to vector<1x1x1xf32>
    %reduce_sum3A_34 = vector.extract %reduce_sum3A_33[0, 0, 0] : f32 from vector<1x1x1xf32>
    %iota3A_35 = tpu.iota {dimensions = array<i32: 0>} : vector<128x1xi32>
    %add3A_36 = arith.constant 0 : i32
    %add3A_37 = vector.broadcast %add3A_36 : i32 to vector<128x1xi32>
    %add3A_38 = arith.addi %iota3A_35, %add3A_37 : vector<128x1xi32>
    %broadcast_in_dim3A_39 = arith.constant -1.000000e+00 : f32
    %broadcast_in_dim3A_40 = vector.broadcast %broadcast_in_dim3A_39 : f32 to vector<128x128xf32>
    %broadcast_in_dim3A_41 = arith.constant 1073741824 : i32
    %broadcast_in_dim3A_42 = vector.broadcast %broadcast_in_dim3A_41 : i32 to vector<128x128xi32>
    %broadcast_in_dim3A_43 = arith.constant 0 : i32
    %broadcast_in_dim3A_44 = vector.broadcast %broadcast_in_dim3A_43 : i32 to vector<128x128xi32>
    %scan3A = arith.constant 0 : i32
    %scan3A_45 = arith.constant 20 : i32
    %scan3A_46 = arith.addi %scan3A, %scan3A_45 : i32
    %scan3A_47 = arith.constant 1 : i32
    %scan3A_48:3 = scf.for %scan3A_188 = %scan3A to %scan3A_46 step %scan3A_47 iter_args(%scan3A_189 = %broadcast_in_dim3A_40, %scan3A_190 = %broadcast_in_dim3A_42, %scan3A_191 = %broadcast_in_dim3A_44) -> (vector<128x128xf32>, vector<128x128xi32>, vector<128x128xi32>)  : i32 {
      %mul3A_192 = arith.constant 4 : i32
      %mul3A_193 = arith.muli %scan3A_188, %mul3A_192 : i32
      %add3A_194 = arith.constant 0 : i32
      %add3A_195 = arith.addi %mul3A_193, %add3A_194 : i32
      %get3A_196 = arith.index_cast %add3A_195 : i32 to index
      %get3A_197 = arith.constant 0 : index
      %get3A_198 = vector.load %arg4[%get3A_196, %get3A_197] : memref<80x128xi32, #tpu.memory_space<vmem>>, vector<1x128xi32>
      %get3A_199 = arith.index_cast %add3A_195 : i32 to index
      %get3A_200 = arith.constant 0 : index
      %get3A_201 = vector.load %arg6[%get3A_199, %get3A_200] : memref<80x128xf32, #tpu.memory_space<vmem>>, vector<1x128xf32>
      %get3A_202 = arith.index_cast %add3A_195 : i32 to index
      %get3A_203 = arith.constant 0 : index
      %get3A_204 = vector.load %arg5[%get3A_202, %get3A_203] : memref<80x128xi32, #tpu.memory_space<vmem>>, vector<1x128xi32>
      %mul3A_205 = arith.constant 128 : i32
      %mul3A_206 = arith.muli %add3A_195, %mul3A_205 : i32
      %add3A_207 = vector.broadcast %mul3A_206 : i32 to vector<1x128xi32>
      %add3A_208 = arith.addi %add3A_207, %iota3A_0 : vector<1x128xi32>
      %lt3A_209 = arith.constant 10000 : i32
      %lt3A_210 = vector.broadcast %lt3A_209 : i32 to vector<1x128xi32>
      %lt3A_211 = arith.cmpi slt, %add3A_208, %lt3A_210 : vector<1x128xi32>
      %eq3A_212 = vector.broadcast %get3A_198 : vector<1x128xi32> to vector<128x128xi32>
      %eq3A_213 = vector.broadcast %add3A_38 : vector<128x1xi32> to vector<128x128xi32>
      %eq3A_214 = arith.cmpi eq, %eq3A_212, %eq3A_213 : vector<128x128xi32>
      %and3A_215 = vector.broadcast %lt3A_211 : vector<1x128xi1> to vector<128x128xi1>
      %and3A_216 = arith.andi %eq3A_214, %and3A_215 : vector<128x128xi1>
      %jit3A_217 = arith.constant -1.000000e+00 : f32
      %broadcast_in_dim3A_218 = vector.shape_cast %get3A_201 : vector<1x128xf32> to vector<1x128xf32>
      %broadcast_in_dim3A_219 = vector.broadcast %broadcast_in_dim3A_218 : vector<1x128xf32> to vector<128x128xf32>
      %broadcast_in_dim3A_220 = vector.broadcast %jit3A_217 : f32 to vector<128x128xf32>
      %select_n3A_221 = arith.select %and3A_216, %broadcast_in_dim3A_219, %broadcast_in_dim3A_220 : vector<128x128xi1>, vector<128x128xf32>
      %gt3A_222 = arith.cmpf ogt, %select_n3A_221, %scan3A_189 : vector<128x128xf32>
      %mul3A_223 = arith.constant 128 : i32
      %mul3A_224 = arith.muli %add3A_195, %mul3A_223 : i32
      %add3A_225 = vector.broadcast %mul3A_224 : i32 to vector<1x128xi32>
      %add3A_226 = arith.addi %add3A_225, %iota3A_0 : vector<1x128xi32>
      %select_n3A_227 = arith.select %gt3A_222, %select_n3A_221, %scan3A_189 : vector<128x128xi1>, vector<128x128xf32>
      %broadcast_in_dim3A_228 = vector.shape_cast %add3A_226 : vector<1x128xi32> to vector<1x128xi32>
      %broadcast_in_dim3A_229 = vector.broadcast %broadcast_in_dim3A_228 : vector<1x128xi32> to vector<128x128xi32>
      %select_n3A_230 = arith.select %gt3A_222, %broadcast_in_dim3A_229, %scan3A_190 : vector<128x128xi1>, vector<128x128xi32>
      %broadcast_in_dim3A_231 = vector.shape_cast %get3A_204 : vector<1x128xi32> to vector<1x128xi32>
      %broadcast_in_dim3A_232 = vector.broadcast %broadcast_in_dim3A_231 : vector<1x128xi32> to vector<128x128xi32>
      %select_n3A_233 = arith.select %gt3A_222, %broadcast_in_dim3A_232, %scan3A_191 : vector<128x128xi1>, vector<128x128xi32>
      %mul3A_234 = arith.constant 4 : i32
      %mul3A_235 = arith.muli %scan3A_188, %mul3A_234 : i32
      %add3A_236 = arith.constant 1 : i32
      %add3A_237 = arith.addi %mul3A_235, %add3A_236 : i32
      %get3A_238 = arith.index_cast %add3A_237 : i32 to index
      %get3A_239 = arith.constant 0 : index
      %get3A_240 = vector.load %arg4[%get3A_238, %get3A_239] : memref<80x128xi32, #tpu.memory_space<vmem>>, vector<1x128xi32>
      %get3A_241 = arith.index_cast %add3A_237 : i32 to index
      %get3A_242 = arith.constant 0 : index
      %get3A_243 = vector.load %arg6[%get3A_241, %get3A_242] : memref<80x128xf32, #tpu.memory_space<vmem>>, vector<1x128xf32>
      %get3A_244 = arith.index_cast %add3A_237 : i32 to index
      %get3A_245 = arith.constant 0 : index
      %get3A_246 = vector.load %arg5[%get3A_244, %get3A_245] : memref<80x128xi32, #tpu.memory_space<vmem>>, vector<1x128xi32>
      %mul3A_247 = arith.constant 128 : i32
      %mul3A_248 = arith.muli %add3A_237, %mul3A_247 : i32
      %add3A_249 = vector.broadcast %mul3A_248 : i32 to vector<1x128xi32>
      %add3A_250 = arith.addi %add3A_249, %iota3A_0 : vector<1x128xi32>
      %lt3A_251 = arith.constant 10000 : i32
      %lt3A_252 = vector.broadcast %lt3A_251 : i32 to vector<1x128xi32>
      %lt3A_253 = arith.cmpi slt, %add3A_250, %lt3A_252 : vector<1x128xi32>
      %eq3A_254 = vector.broadcast %get3A_240 : vector<1x128xi32> to vector<128x128xi32>
      %eq3A_255 = vector.broadcast %add3A_38 : vector<128x1xi32> to vector<128x128xi32>
      %eq3A_256 = arith.cmpi eq, %eq3A_254, %eq3A_255 : vector<128x128xi32>
      %and3A_257 = vector.broadcast %lt3A_253 : vector<1x128xi1> to vector<128x128xi1>
      %and3A_258 = arith.andi %eq3A_256, %and3A_257 : vector<128x128xi1>
      %jit3A_259 = arith.constant -1.000000e+00 : f32
      %broadcast_in_dim3A_260 = vector.shape_cast %get3A_243 : vector<1x128xf32> to vector<1x128xf32>
      %broadcast_in_dim3A_261 = vector.broadcast %broadcast_in_dim3A_260 : vector<1x128xf32> to vector<128x128xf32>
      %broadcast_in_dim3A_262 = vector.broadcast %jit3A_259 : f32 to vector<128x128xf32>
      %select_n3A_263 = arith.select %and3A_258, %broadcast_in_dim3A_261, %broadcast_in_dim3A_262 : vector<128x128xi1>, vector<128x128xf32>
      %gt3A_264 = arith.cmpf ogt, %select_n3A_263, %select_n3A_227 : vector<128x128xf32>
      %mul3A_265 = arith.constant 128 : i32
      %mul3A_266 = arith.muli %add3A_237, %mul3A_265 : i32
      %add3A_267 = vector.broadcast %mul3A_266 : i32 to vector<1x128xi32>
      %add3A_268 = arith.addi %add3A_267, %iota3A_0 : vector<1x128xi32>
      %select_n3A_269 = arith.select %gt3A_264, %select_n3A_263, %select_n3A_227 : vector<128x128xi1>, vector<128x128xf32>
      %broadcast_in_dim3A_270 = vector.shape_cast %add3A_268 : vector<1x128xi32> to vector<1x128xi32>
      %broadcast_in_dim3A_271 = vector.broadcast %broadcast_in_dim3A_270 : vector<1x128xi32> to vector<128x128xi32>
      %select_n3A_272 = arith.select %gt3A_264, %broadcast_in_dim3A_271, %select_n3A_230 : vector<128x128xi1>, vector<128x128xi32>
      %broadcast_in_dim3A_273 = vector.shape_cast %get3A_246 : vector<1x128xi32> to vector<1x128xi32>
      %broadcast_in_dim3A_274 = vector.broadcast %broadcast_in_dim3A_273 : vector<1x128xi32> to vector<128x128xi32>
      %select_n3A_275 = arith.select %gt3A_264, %broadcast_in_dim3A_274, %select_n3A_233 : vector<128x128xi1>, vector<128x128xi32>
      %mul3A_276 = arith.constant 4 : i32
      %mul3A_277 = arith.muli %scan3A_188, %mul3A_276 : i32
      %add3A_278 = arith.constant 2 : i32
      %add3A_279 = arith.addi %mul3A_277, %add3A_278 : i32
      %get3A_280 = arith.index_cast %add3A_279 : i32 to index
      %get3A_281 = arith.constant 0 : index
      %get3A_282 = vector.load %arg4[%get3A_280, %get3A_281] : memref<80x128xi32, #tpu.memory_space<vmem>>, vector<1x128xi32>
      %get3A_283 = arith.index_cast %add3A_279 : i32 to index
      %get3A_284 = arith.constant 0 : index
      %get3A_285 = vector.load %arg6[%get3A_283, %get3A_284] : memref<80x128xf32, #tpu.memory_space<vmem>>, vector<1x128xf32>
      %get3A_286 = arith.index_cast %add3A_279 : i32 to index
      %get3A_287 = arith.constant 0 : index
      %get3A_288 = vector.load %arg5[%get3A_286, %get3A_287] : memref<80x128xi32, #tpu.memory_space<vmem>>, vector<1x128xi32>
      %mul3A_289 = arith.constant 128 : i32
      %mul3A_290 = arith.muli %add3A_279, %mul3A_289 : i32
      %add3A_291 = vector.broadcast %mul3A_290 : i32 to vector<1x128xi32>
      %add3A_292 = arith.addi %add3A_291, %iota3A_0 : vector<1x128xi32>
      %lt3A_293 = arith.constant 10000 : i32
      %lt3A_294 = vector.broadcast %lt3A_293 : i32 to vector<1x128xi32>
      %lt3A_295 = arith.cmpi slt, %add3A_292, %lt3A_294 : vector<1x128xi32>
      %eq3A_296 = vector.broadcast %get3A_282 : vector<1x128xi32> to vector<128x128xi32>
      %eq3A_297 = vector.broadcast %add3A_38 : vector<128x1xi32> to vector<128x128xi32>
      %eq3A_298 = arith.cmpi eq, %eq3A_296, %eq3A_297 : vector<128x128xi32>
      %and3A_299 = vector.broadcast %lt3A_295 : vector<1x128xi1> to vector<128x128xi1>
      %and3A_300 = arith.andi %eq3A_298, %and3A_299 : vector<128x128xi1>
      %jit3A_301 = arith.constant -1.000000e+00 : f32
      %broadcast_in_dim3A_302 = vector.shape_cast %get3A_285 : vector<1x128xf32> to vector<1x128xf32>
      %broadcast_in_dim3A_303 = vector.broadcast %broadcast_in_dim3A_302 : vector<1x128xf32> to vector<128x128xf32>
      %broadcast_in_dim3A_304 = vector.broadcast %jit3A_301 : f32 to vector<128x128xf32>
      %select_n3A_305 = arith.select %and3A_300, %broadcast_in_dim3A_303, %broadcast_in_dim3A_304 : vector<128x128xi1>, vector<128x128xf32>
      %gt3A_306 = arith.cmpf ogt, %select_n3A_305, %select_n3A_269 : vector<128x128xf32>
      %mul3A_307 = arith.constant 128 : i32
      %mul3A_308 = arith.muli %add3A_279, %mul3A_307 : i32
      %add3A_309 = vector.broadcast %mul3A_308 : i32 to vector<1x128xi32>
      %add3A_310 = arith.addi %add3A_309, %iota3A_0 : vector<1x128xi32>
      %select_n3A_311 = arith.select %gt3A_306, %select_n3A_305, %select_n3A_269 : vector<128x128xi1>, vector<128x128xf32>
      %broadcast_in_dim3A_312 = vector.shape_cast %add3A_310 : vector<1x128xi32> to vector<1x128xi32>
      %broadcast_in_dim3A_313 = vector.broadcast %broadcast_in_dim3A_312 : vector<1x128xi32> to vector<128x128xi32>
      %select_n3A_314 = arith.select %gt3A_306, %broadcast_in_dim3A_313, %select_n3A_272 : vector<128x128xi1>, vector<128x128xi32>
      %broadcast_in_dim3A_315 = vector.shape_cast %get3A_288 : vector<1x128xi32> to vector<1x128xi32>
      %broadcast_in_dim3A_316 = vector.broadcast %broadcast_in_dim3A_315 : vector<1x128xi32> to vector<128x128xi32>
      %select_n3A_317 = arith.select %gt3A_306, %broadcast_in_dim3A_316, %select_n3A_275 : vector<128x128xi1>, vector<128x128xi32>
      %mul3A_318 = arith.constant 4 : i32
      %mul3A_319 = arith.muli %scan3A_188, %mul3A_318 : i32
      %add3A_320 = arith.constant 3 : i32
      %add3A_321 = arith.addi %mul3A_319, %add3A_320 : i32
      %get3A_322 = arith.index_cast %add3A_321 : i32 to index
      %get3A_323 = arith.constant 0 : index
      %get3A_324 = vector.load %arg4[%get3A_322, %get3A_323] : memref<80x128xi32, #tpu.memory_space<vmem>>, vector<1x128xi32>
      %get3A_325 = arith.index_cast %add3A_321 : i32 to index
      %get3A_326 = arith.constant 0 : index
      %get3A_327 = vector.load %arg6[%get3A_325, %get3A_326] : memref<80x128xf32, #tpu.memory_space<vmem>>, vector<1x128xf32>
      %get3A_328 = arith.index_cast %add3A_321 : i32 to index
      %get3A_329 = arith.constant 0 : index
      %get3A_330 = vector.load %arg5[%get3A_328, %get3A_329] : memref<80x128xi32, #tpu.memory_space<vmem>>, vector<1x128xi32>
      %mul3A_331 = arith.constant 128 : i32
      %mul3A_332 = arith.muli %add3A_321, %mul3A_331 : i32
      %add3A_333 = vector.broadcast %mul3A_332 : i32 to vector<1x128xi32>
      %add3A_334 = arith.addi %add3A_333, %iota3A_0 : vector<1x128xi32>
      %lt3A_335 = arith.constant 10000 : i32
      %lt3A_336 = vector.broadcast %lt3A_335 : i32 to vector<1x128xi32>
      %lt3A_337 = arith.cmpi slt, %add3A_334, %lt3A_336 : vector<1x128xi32>
      %eq3A_338 = vector.broadcast %get3A_324 : vector<1x128xi32> to vector<128x128xi32>
      %eq3A_339 = vector.broadcast %add3A_38 : vector<128x1xi32> to vector<128x128xi32>
      %eq3A_340 = arith.cmpi eq, %eq3A_338, %eq3A_339 : vector<128x128xi32>
      %and3A_341 = vector.broadcast %lt3A_337 : vector<1x128xi1> to vector<128x128xi1>
      %and3A_342 = arith.andi %eq3A_340, %and3A_341 : vector<128x128xi1>
      %jit3A_343 = arith.constant -1.000000e+00 : f32
      %broadcast_in_dim3A_344 = vector.shape_cast %get3A_327 : vector<1x128xf32> to vector<1x128xf32>
      %broadcast_in_dim3A_345 = vector.broadcast %broadcast_in_dim3A_344 : vector<1x128xf32> to vector<128x128xf32>
      %broadcast_in_dim3A_346 = vector.broadcast %jit3A_343 : f32 to vector<128x128xf32>
      %select_n3A_347 = arith.select %and3A_342, %broadcast_in_dim3A_345, %broadcast_in_dim3A_346 : vector<128x128xi1>, vector<128x128xf32>
      %gt3A_348 = arith.cmpf ogt, %select_n3A_347, %select_n3A_311 : vector<128x128xf32>
      %mul3A_349 = arith.constant 128 : i32
      %mul3A_350 = arith.muli %add3A_321, %mul3A_349 : i32
      %add3A_351 = vector.broadcast %mul3A_350 : i32 to vector<1x128xi32>
      %add3A_352 = arith.addi %add3A_351, %iota3A_0 : vector<1x128xi32>
      %select_n3A_353 = arith.select %gt3A_348, %select_n3A_347, %select_n3A_311 : vector<128x128xi1>, vector<128x128xf32>
      %broadcast_in_dim3A_354 = vector.shape_cast %add3A_352 : vector<1x128xi32> to vector<1x128xi32>
      %broadcast_in_dim3A_355 = vector.broadcast %broadcast_in_dim3A_354 : vector<1x128xi32> to vector<128x128xi32>
      %select_n3A_356 = arith.select %gt3A_348, %broadcast_in_dim3A_355, %select_n3A_314 : vector<128x128xi1>, vector<128x128xi32>
      %broadcast_in_dim3A_357 = vector.shape_cast %get3A_330 : vector<1x128xi32> to vector<1x128xi32>
      %broadcast_in_dim3A_358 = vector.broadcast %broadcast_in_dim3A_357 : vector<1x128xi32> to vector<128x128xi32>
      %select_n3A_359 = arith.select %gt3A_348, %broadcast_in_dim3A_358, %select_n3A_317 : vector<128x128xi1>, vector<128x128xi32>
      scf.yield %select_n3A_353, %select_n3A_356, %select_n3A_359 : vector<128x128xf32>, vector<128x128xi32>, vector<128x128xi32>
    }
    %scan3A_49 = arith.constant 20 : i32
    %reduce_max3A = arith.constant dense<0xFF800000> : vector<128xf32>
    %reduce_max3A_50 = vector.multi_reduction <maximumf>, %scan3A_48#0, %reduce_max3A [1] : vector<128x128xf32> to vector<128xf32>
    %broadcast_in_dim3A_51 = vector.shape_cast %reduce_max3A_50 : vector<128xf32> to vector<128x1xf32>
    %eq3A_52 = vector.broadcast %broadcast_in_dim3A_51 : vector<128x1xf32> to vector<128x128xf32>
    %eq3A_53 = arith.cmpf oeq, %scan3A_48#0, %eq3A_52 : vector<128x128xf32>
    %jit3A_54 = arith.constant 1073741824 : i32
    %broadcast_in_dim3A_55 = vector.broadcast %jit3A_54 : i32 to vector<128x128xi32>
    %select_n3A_56 = arith.select %eq3A_53, %scan3A_48#1, %broadcast_in_dim3A_55 : vector<128x128xi1>, vector<128x128xi32>
    %reduce_min3A = arith.constant dense<2147483647> : vector<128xi32>
    %reduce_min3A_57 = vector.multi_reduction <minsi>, %select_n3A_56, %reduce_min3A [1] : vector<128x128xi32> to vector<128xi32>
    %broadcast_in_dim3A_58 = vector.shape_cast %reduce_min3A_57 : vector<128xi32> to vector<128x1xi32>
    %eq3A_59 = vector.broadcast %broadcast_in_dim3A_58 : vector<128x1xi32> to vector<128x128xi32>
    %eq3A_60 = arith.cmpi eq, %select_n3A_56, %eq3A_59 : vector<128x128xi32>
    %jit3A_61 = arith.constant 0 : i32
    %broadcast_in_dim3A_62 = vector.broadcast %jit3A_61 : i32 to vector<128x128xi32>
    %select_n3A_63 = arith.select %eq3A_60, %scan3A_48#2, %broadcast_in_dim3A_62 : vector<128x128xi1>, vector<128x128xi32>
    %reduce_sum3A_64 = arith.constant dense<0> : vector<128xi32>
    %reduce_sum3A_65 = vector.multi_reduction <add>, %select_n3A_63, %reduce_sum3A_64 [1] : vector<128x128xi32> to vector<128xi32>
    %broadcast_in_dim3A_66 = vector.shape_cast %reduce_sum3A_65 : vector<128xi32> to vector<128x1xi32>
    %iota3A_67 = tpu.iota {dimensions = array<i32: 0>} : vector<128x1xi32>
    %add3A_68 = arith.constant 128 : i32
    %add3A_69 = vector.broadcast %add3A_68 : i32 to vector<128x1xi32>
    %add3A_70 = arith.addi %iota3A_67, %add3A_69 : vector<128x1xi32>
    %broadcast_in_dim3A_71 = arith.constant -1.000000e+00 : f32
    %broadcast_in_dim3A_72 = vector.broadcast %broadcast_in_dim3A_71 : f32 to vector<128x128xf32>
    %broadcast_in_dim3A_73 = arith.constant 1073741824 : i32
    %broadcast_in_dim3A_74 = vector.broadcast %broadcast_in_dim3A_73 : i32 to vector<128x128xi32>
    %broadcast_in_dim3A_75 = arith.constant 0 : i32
    %broadcast_in_dim3A_76 = vector.broadcast %broadcast_in_dim3A_75 : i32 to vector<128x128xi32>
    %scan3A_77 = arith.constant 0 : i32
    %scan3A_78 = arith.constant 20 : i32
    %scan3A_79 = arith.addi %scan3A_77, %scan3A_78 : i32
    %scan3A_80 = arith.constant 1 : i32
    %scan3A_81:3 = scf.for %scan3A_188 = %scan3A_77 to %scan3A_79 step %scan3A_80 iter_args(%scan3A_189 = %broadcast_in_dim3A_72, %scan3A_190 = %broadcast_in_dim3A_74, %scan3A_191 = %broadcast_in_dim3A_76) -> (vector<128x128xf32>, vector<128x128xi32>, vector<128x128xi32>)  : i32 {
      %mul3A_192 = arith.constant 4 : i32
      %mul3A_193 = arith.muli %scan3A_188, %mul3A_192 : i32
      %add3A_194 = arith.constant 0 : i32
      %add3A_195 = arith.addi %mul3A_193, %add3A_194 : i32
      %get3A_196 = arith.index_cast %add3A_195 : i32 to index
      %get3A_197 = arith.constant 0 : index
      %get3A_198 = vector.load %arg4[%get3A_196, %get3A_197] : memref<80x128xi32, #tpu.memory_space<vmem>>, vector<1x128xi32>
      %get3A_199 = arith.index_cast %add3A_195 : i32 to index
      %get3A_200 = arith.constant 0 : index
      %get3A_201 = vector.load %arg6[%get3A_199, %get3A_200] : memref<80x128xf32, #tpu.memory_space<vmem>>, vector<1x128xf32>
      %get3A_202 = arith.index_cast %add3A_195 : i32 to index
      %get3A_203 = arith.constant 0 : index
      %get3A_204 = vector.load %arg5[%get3A_202, %get3A_203] : memref<80x128xi32, #tpu.memory_space<vmem>>, vector<1x128xi32>
      %mul3A_205 = arith.constant 128 : i32
      %mul3A_206 = arith.muli %add3A_195, %mul3A_205 : i32
      %add3A_207 = vector.broadcast %mul3A_206 : i32 to vector<1x128xi32>
      %add3A_208 = arith.addi %add3A_207, %iota3A_0 : vector<1x128xi32>
      %lt3A_209 = arith.constant 10000 : i32
      %lt3A_210 = vector.broadcast %lt3A_209 : i32 to vector<1x128xi32>
      %lt3A_211 = arith.cmpi slt, %add3A_208, %lt3A_210 : vector<1x128xi32>
      %eq3A_212 = vector.broadcast %get3A_198 : vector<1x128xi32> to vector<128x128xi32>
      %eq3A_213 = vector.broadcast %add3A_70 : vector<128x1xi32> to vector<128x128xi32>
      %eq3A_214 = arith.cmpi eq, %eq3A_212, %eq3A_213 : vector<128x128xi32>
      %and3A_215 = vector.broadcast %lt3A_211 : vector<1x128xi1> to vector<128x128xi1>
      %and3A_216 = arith.andi %eq3A_214, %and3A_215 : vector<128x128xi1>
      %jit3A_217 = arith.constant -1.000000e+00 : f32
      %broadcast_in_dim3A_218 = vector.shape_cast %get3A_201 : vector<1x128xf32> to vector<1x128xf32>
      %broadcast_in_dim3A_219 = vector.broadcast %broadcast_in_dim3A_218 : vector<1x128xf32> to vector<128x128xf32>
      %broadcast_in_dim3A_220 = vector.broadcast %jit3A_217 : f32 to vector<128x128xf32>
      %select_n3A_221 = arith.select %and3A_216, %broadcast_in_dim3A_219, %broadcast_in_dim3A_220 : vector<128x128xi1>, vector<128x128xf32>
      %gt3A_222 = arith.cmpf ogt, %select_n3A_221, %scan3A_189 : vector<128x128xf32>
      %mul3A_223 = arith.constant 128 : i32
      %mul3A_224 = arith.muli %add3A_195, %mul3A_223 : i32
      %add3A_225 = vector.broadcast %mul3A_224 : i32 to vector<1x128xi32>
      %add3A_226 = arith.addi %add3A_225, %iota3A_0 : vector<1x128xi32>
      %select_n3A_227 = arith.select %gt3A_222, %select_n3A_221, %scan3A_189 : vector<128x128xi1>, vector<128x128xf32>
      %broadcast_in_dim3A_228 = vector.shape_cast %add3A_226 : vector<1x128xi32> to vector<1x128xi32>
      %broadcast_in_dim3A_229 = vector.broadcast %broadcast_in_dim3A_228 : vector<1x128xi32> to vector<128x128xi32>
      %select_n3A_230 = arith.select %gt3A_222, %broadcast_in_dim3A_229, %scan3A_190 : vector<128x128xi1>, vector<128x128xi32>
      %broadcast_in_dim3A_231 = vector.shape_cast %get3A_204 : vector<1x128xi32> to vector<1x128xi32>
      %broadcast_in_dim3A_232 = vector.broadcast %broadcast_in_dim3A_231 : vector<1x128xi32> to vector<128x128xi32>
      %select_n3A_233 = arith.select %gt3A_222, %broadcast_in_dim3A_232, %scan3A_191 : vector<128x128xi1>, vector<128x128xi32>
      %mul3A_234 = arith.constant 4 : i32
      %mul3A_235 = arith.muli %scan3A_188, %mul3A_234 : i32
      %add3A_236 = arith.constant 1 : i32
      %add3A_237 = arith.addi %mul3A_235, %add3A_236 : i32
      %get3A_238 = arith.index_cast %add3A_237 : i32 to index
      %get3A_239 = arith.constant 0 : index
      %get3A_240 = vector.load %arg4[%get3A_238, %get3A_239] : memref<80x128xi32, #tpu.memory_space<vmem>>, vector<1x128xi32>
      %get3A_241 = arith.index_cast %add3A_237 : i32 to index
      %get3A_242 = arith.constant 0 : index
      %get3A_243 = vector.load %arg6[%get3A_241, %get3A_242] : memref<80x128xf32, #tpu.memory_space<vmem>>, vector<1x128xf32>
      %get3A_244 = arith.index_cast %add3A_237 : i32 to index
      %get3A_245 = arith.constant 0 : index
      %get3A_246 = vector.load %arg5[%get3A_244, %get3A_245] : memref<80x128xi32, #tpu.memory_space<vmem>>, vector<1x128xi32>
      %mul3A_247 = arith.constant 128 : i32
      %mul3A_248 = arith.muli %add3A_237, %mul3A_247 : i32
      %add3A_249 = vector.broadcast %mul3A_248 : i32 to vector<1x128xi32>
      %add3A_250 = arith.addi %add3A_249, %iota3A_0 : vector<1x128xi32>
      %lt3A_251 = arith.constant 10000 : i32
      %lt3A_252 = vector.broadcast %lt3A_251 : i32 to vector<1x128xi32>
      %lt3A_253 = arith.cmpi slt, %add3A_250, %lt3A_252 : vector<1x128xi32>
      %eq3A_254 = vector.broadcast %get3A_240 : vector<1x128xi32> to vector<128x128xi32>
      %eq3A_255 = vector.broadcast %add3A_70 : vector<128x1xi32> to vector<128x128xi32>
      %eq3A_256 = arith.cmpi eq, %eq3A_254, %eq3A_255 : vector<128x128xi32>
      %and3A_257 = vector.broadcast %lt3A_253 : vector<1x128xi1> to vector<128x128xi1>
      %and3A_258 = arith.andi %eq3A_256, %and3A_257 : vector<128x128xi1>
      %jit3A_259 = arith.constant -1.000000e+00 : f32
      %broadcast_in_dim3A_260 = vector.shape_cast %get3A_243 : vector<1x128xf32> to vector<1x128xf32>
      %broadcast_in_dim3A_261 = vector.broadcast %broadcast_in_dim3A_260 : vector<1x128xf32> to vector<128x128xf32>
      %broadcast_in_dim3A_262 = vector.broadcast %jit3A_259 : f32 to vector<128x128xf32>
      %select_n3A_263 = arith.select %and3A_258, %broadcast_in_dim3A_261, %broadcast_in_dim3A_262 : vector<128x128xi1>, vector<128x128xf32>
      %gt3A_264 = arith.cmpf ogt, %select_n3A_263, %select_n3A_227 : vector<128x128xf32>
      %mul3A_265 = arith.constant 128 : i32
      %mul3A_266 = arith.muli %add3A_237, %mul3A_265 : i32
      %add3A_267 = vector.broadcast %mul3A_266 : i32 to vector<1x128xi32>
      %add3A_268 = arith.addi %add3A_267, %iota3A_0 : vector<1x128xi32>
      %select_n3A_269 = arith.select %gt3A_264, %select_n3A_263, %select_n3A_227 : vector<128x128xi1>, vector<128x128xf32>
      %broadcast_in_dim3A_270 = vector.shape_cast %add3A_268 : vector<1x128xi32> to vector<1x128xi32>
      %broadcast_in_dim3A_271 = vector.broadcast %broadcast_in_dim3A_270 : vector<1x128xi32> to vector<128x128xi32>
      %select_n3A_272 = arith.select %gt3A_264, %broadcast_in_dim3A_271, %select_n3A_230 : vector<128x128xi1>, vector<128x128xi32>
      %broadcast_in_dim3A_273 = vector.shape_cast %get3A_246 : vector<1x128xi32> to vector<1x128xi32>
      %broadcast_in_dim3A_274 = vector.broadcast %broadcast_in_dim3A_273 : vector<1x128xi32> to vector<128x128xi32>
      %select_n3A_275 = arith.select %gt3A_264, %broadcast_in_dim3A_274, %select_n3A_233 : vector<128x128xi1>, vector<128x128xi32>
      %mul3A_276 = arith.constant 4 : i32
      %mul3A_277 = arith.muli %scan3A_188, %mul3A_276 : i32
      %add3A_278 = arith.constant 2 : i32
      %add3A_279 = arith.addi %mul3A_277, %add3A_278 : i32
      %get3A_280 = arith.index_cast %add3A_279 : i32 to index
      %get3A_281 = arith.constant 0 : index
      %get3A_282 = vector.load %arg4[%get3A_280, %get3A_281] : memref<80x128xi32, #tpu.memory_space<vmem>>, vector<1x128xi32>
      %get3A_283 = arith.index_cast %add3A_279 : i32 to index
      %get3A_284 = arith.constant 0 : index
      %get3A_285 = vector.load %arg6[%get3A_283, %get3A_284] : memref<80x128xf32, #tpu.memory_space<vmem>>, vector<1x128xf32>
      %get3A_286 = arith.index_cast %add3A_279 : i32 to index
      %get3A_287 = arith.constant 0 : index
      %get3A_288 = vector.load %arg5[%get3A_286, %get3A_287] : memref<80x128xi32, #tpu.memory_space<vmem>>, vector<1x128xi32>
      %mul3A_289 = arith.constant 128 : i32
      %mul3A_290 = arith.muli %add3A_279, %mul3A_289 : i32
      %add3A_291 = vector.broadcast %mul3A_290 : i32 to vector<1x128xi32>
      %add3A_292 = arith.addi %add3A_291, %iota3A_0 : vector<1x128xi32>
      %lt3A_293 = arith.constant 10000 : i32
      %lt3A_294 = vector.broadcast %lt3A_293 : i32 to vector<1x128xi32>
      %lt3A_295 = arith.cmpi slt, %add3A_292, %lt3A_294 : vector<1x128xi32>
      %eq3A_296 = vector.broadcast %get3A_282 : vector<1x128xi32> to vector<128x128xi32>
      %eq3A_297 = vector.broadcast %add3A_70 : vector<128x1xi32> to vector<128x128xi32>
      %eq3A_298 = arith.cmpi eq, %eq3A_296, %eq3A_297 : vector<128x128xi32>
      %and3A_299 = vector.broadcast %lt3A_295 : vector<1x128xi1> to vector<128x128xi1>
      %and3A_300 = arith.andi %eq3A_298, %and3A_299 : vector<128x128xi1>
      %jit3A_301 = arith.constant -1.000000e+00 : f32
      %broadcast_in_dim3A_302 = vector.shape_cast %get3A_285 : vector<1x128xf32> to vector<1x128xf32>
      %broadcast_in_dim3A_303 = vector.broadcast %broadcast_in_dim3A_302 : vector<1x128xf32> to vector<128x128xf32>
      %broadcast_in_dim3A_304 = vector.broadcast %jit3A_301 : f32 to vector<128x128xf32>
      %select_n3A_305 = arith.select %and3A_300, %broadcast_in_dim3A_303, %broadcast_in_dim3A_304 : vector<128x128xi1>, vector<128x128xf32>
      %gt3A_306 = arith.cmpf ogt, %select_n3A_305, %select_n3A_269 : vector<128x128xf32>
      %mul3A_307 = arith.constant 128 : i32
      %mul3A_308 = arith.muli %add3A_279, %mul3A_307 : i32
      %add3A_309 = vector.broadcast %mul3A_308 : i32 to vector<1x128xi32>
      %add3A_310 = arith.addi %add3A_309, %iota3A_0 : vector<1x128xi32>
      %select_n3A_311 = arith.select %gt3A_306, %select_n3A_305, %select_n3A_269 : vector<128x128xi1>, vector<128x128xf32>
      %broadcast_in_dim3A_312 = vector.shape_cast %add3A_310 : vector<1x128xi32> to vector<1x128xi32>
      %broadcast_in_dim3A_313 = vector.broadcast %broadcast_in_dim3A_312 : vector<1x128xi32> to vector<128x128xi32>
      %select_n3A_314 = arith.select %gt3A_306, %broadcast_in_dim3A_313, %select_n3A_272 : vector<128x128xi1>, vector<128x128xi32>
      %broadcast_in_dim3A_315 = vector.shape_cast %get3A_288 : vector<1x128xi32> to vector<1x128xi32>
      %broadcast_in_dim3A_316 = vector.broadcast %broadcast_in_dim3A_315 : vector<1x128xi32> to vector<128x128xi32>
      %select_n3A_317 = arith.select %gt3A_306, %broadcast_in_dim3A_316, %select_n3A_275 : vector<128x128xi1>, vector<128x128xi32>
      %mul3A_318 = arith.constant 4 : i32
      %mul3A_319 = arith.muli %scan3A_188, %mul3A_318 : i32
      %add3A_320 = arith.constant 3 : i32
      %add3A_321 = arith.addi %mul3A_319, %add3A_320 : i32
      %get3A_322 = arith.index_cast %add3A_321 : i32 to index
      %get3A_323 = arith.constant 0 : index
      %get3A_324 = vector.load %arg4[%get3A_322, %get3A_323] : memref<80x128xi32, #tpu.memory_space<vmem>>, vector<1x128xi32>
      %get3A_325 = arith.index_cast %add3A_321 : i32 to index
      %get3A_326 = arith.constant 0 : index
      %get3A_327 = vector.load %arg6[%get3A_325, %get3A_326] : memref<80x128xf32, #tpu.memory_space<vmem>>, vector<1x128xf32>
      %get3A_328 = arith.index_cast %add3A_321 : i32 to index
      %get3A_329 = arith.constant 0 : index
      %get3A_330 = vector.load %arg5[%get3A_328, %get3A_329] : memref<80x128xi32, #tpu.memory_space<vmem>>, vector<1x128xi32>
      %mul3A_331 = arith.constant 128 : i32
      %mul3A_332 = arith.muli %add3A_321, %mul3A_331 : i32
      %add3A_333 = vector.broadcast %mul3A_332 : i32 to vector<1x128xi32>
      %add3A_334 = arith.addi %add3A_333, %iota3A_0 : vector<1x128xi32>
      %lt3A_335 = arith.constant 10000 : i32
      %lt3A_336 = vector.broadcast %lt3A_335 : i32 to vector<1x128xi32>
      %lt3A_337 = arith.cmpi slt, %add3A_334, %lt3A_336 : vector<1x128xi32>
      %eq3A_338 = vector.broadcast %get3A_324 : vector<1x128xi32> to vector<128x128xi32>
      %eq3A_339 = vector.broadcast %add3A_70 : vector<128x1xi32> to vector<128x128xi32>
      %eq3A_340 = arith.cmpi eq, %eq3A_338, %eq3A_339 : vector<128x128xi32>
      %and3A_341 = vector.broadcast %lt3A_337 : vector<1x128xi1> to vector<128x128xi1>
      %and3A_342 = arith.andi %eq3A_340, %and3A_341 : vector<128x128xi1>
      %jit3A_343 = arith.constant -1.000000e+00 : f32
      %broadcast_in_dim3A_344 = vector.shape_cast %get3A_327 : vector<1x128xf32> to vector<1x128xf32>
      %broadcast_in_dim3A_345 = vector.broadcast %broadcast_in_dim3A_344 : vector<1x128xf32> to vector<128x128xf32>
      %broadcast_in_dim3A_346 = vector.broadcast %jit3A_343 : f32 to vector<128x128xf32>
      %select_n3A_347 = arith.select %and3A_342, %broadcast_in_dim3A_345, %broadcast_in_dim3A_346 : vector<128x128xi1>, vector<128x128xf32>
      %gt3A_348 = arith.cmpf ogt, %select_n3A_347, %select_n3A_311 : vector<128x128xf32>
      %mul3A_349 = arith.constant 128 : i32
      %mul3A_350 = arith.muli %add3A_321, %mul3A_349 : i32
      %add3A_351 = vector.broadcast %mul3A_350 : i32 to vector<1x128xi32>
      %add3A_352 = arith.addi %add3A_351, %iota3A_0 : vector<1x128xi32>
      %select_n3A_353 = arith.select %gt3A_348, %select_n3A_347, %select_n3A_311 : vector<128x128xi1>, vector<128x128xf32>
      %broadcast_in_dim3A_354 = vector.shape_cast %add3A_352 : vector<1x128xi32> to vector<1x128xi32>
      %broadcast_in_dim3A_355 = vector.broadcast %broadcast_in_dim3A_354 : vector<1x128xi32> to vector<128x128xi32>
      %select_n3A_356 = arith.select %gt3A_348, %broadcast_in_dim3A_355, %select_n3A_314 : vector<128x128xi1>, vector<128x128xi32>
      %broadcast_in_dim3A_357 = vector.shape_cast %get3A_330 : vector<1x128xi32> to vector<1x128xi32>
      %broadcast_in_dim3A_358 = vector.broadcast %broadcast_in_dim3A_357 : vector<1x128xi32> to vector<128x128xi32>
      %select_n3A_359 = arith.select %gt3A_348, %broadcast_in_dim3A_358, %select_n3A_317 : vector<128x128xi1>, vector<128x128xi32>
      scf.yield %select_n3A_353, %select_n3A_356, %select_n3A_359 : vector<128x128xf32>, vector<128x128xi32>, vector<128x128xi32>
    }
    %scan3A_82 = arith.constant 20 : i32
    %reduce_max3A_83 = arith.constant dense<0xFF800000> : vector<128xf32>
    %reduce_max3A_84 = vector.multi_reduction <maximumf>, %scan3A_81#0, %reduce_max3A_83 [1] : vector<128x128xf32> to vector<128xf32>
    %broadcast_in_dim3A_85 = vector.shape_cast %reduce_max3A_84 : vector<128xf32> to vector<128x1xf32>
    %eq3A_86 = vector.broadcast %broadcast_in_dim3A_85 : vector<128x1xf32> to vector<128x128xf32>
    %eq3A_87 = arith.cmpf oeq, %scan3A_81#0, %eq3A_86 : vector<128x128xf32>
    %jit3A_88 = arith.constant 1073741824 : i32
    %broadcast_in_dim3A_89 = vector.broadcast %jit3A_88 : i32 to vector<128x128xi32>
    %select_n3A_90 = arith.select %eq3A_87, %scan3A_81#1, %broadcast_in_dim3A_89 : vector<128x128xi1>, vector<128x128xi32>
    %reduce_min3A_91 = arith.constant dense<2147483647> : vector<128xi32>
    %reduce_min3A_92 = vector.multi_reduction <minsi>, %select_n3A_90, %reduce_min3A_91 [1] : vector<128x128xi32> to vector<128xi32>
    %broadcast_in_dim3A_93 = vector.shape_cast %reduce_min3A_92 : vector<128xi32> to vector<128x1xi32>
    %eq3A_94 = vector.broadcast %broadcast_in_dim3A_93 : vector<128x1xi32> to vector<128x128xi32>
    %eq3A_95 = arith.cmpi eq, %select_n3A_90, %eq3A_94 : vector<128x128xi32>
    %jit3A_96 = arith.constant 0 : i32
    %broadcast_in_dim3A_97 = vector.broadcast %jit3A_96 : i32 to vector<128x128xi32>
    %select_n3A_98 = arith.select %eq3A_95, %scan3A_81#2, %broadcast_in_dim3A_97 : vector<128x128xi1>, vector<128x128xi32>
    %reduce_sum3A_99 = arith.constant dense<0> : vector<128xi32>
    %reduce_sum3A_100 = vector.multi_reduction <add>, %select_n3A_98, %reduce_sum3A_99 [1] : vector<128x128xi32> to vector<128xi32>
    %broadcast_in_dim3A_101 = vector.shape_cast %reduce_sum3A_100 : vector<128xi32> to vector<128x1xi32>
    %concatenate3A = tpu.concatenate %broadcast_in_dim3A_51, %broadcast_in_dim3A_85 in 0 : vector<128x1xf32>, vector<128x1xf32> -> vector<256x1xf32>
    %concatenate3A_102 = tpu.concatenate %broadcast_in_dim3A_66, %broadcast_in_dim3A_101 in 0 : vector<128x1xi32>, vector<128x1xi32> -> vector<256x1xi32>
    %broadcast_in_dim3A_103 = arith.constant 0.000000e+00 : f32
    %broadcast_in_dim3A_104 = vector.broadcast %broadcast_in_dim3A_103 : f32 to vector<256x8xf32>
    %scan3A_105 = arith.constant 0 : i32
    %scan3A_106 = arith.constant 10 : i32
    %scan3A_107 = arith.addi %scan3A_105, %scan3A_106 : i32
    %scan3A_108 = arith.constant 1 : i32
    %scan3A_109 = scf.for %scan3A_188 = %scan3A_105 to %scan3A_107 step %scan3A_108 iter_args(%scan3A_189 = %broadcast_in_dim3A_104) -> (vector<256x8xf32>)  : i32 {
      %mul3A_190 = arith.constant 1024 : i32
      %mul3A_191 = arith.muli %scan3A_188, %mul3A_190 : i32
      %add3A_192 = vector.broadcast %mul3A_191 : i32 to vector<1x1024xi32>
      %add3A_193 = arith.addi %add3A_192, %iota3A_1 : vector<1x1024xi32>
      %eq3A_194 = vector.broadcast %concatenate3A_102 : vector<256x1xi32> to vector<256x1024xi32>
      %eq3A_195 = vector.broadcast %add3A_193 : vector<1x1024xi32> to vector<256x1024xi32>
      %eq3A_196 = arith.cmpi eq, %eq3A_194, %eq3A_195 : vector<256x1024xi32>
      %convert_element_type3A_197 = arith.extui %eq3A_196 : vector<256x1024xi1> to vector<256x1024xi32>
      %convert_element_type3A_198 = arith.sitofp %convert_element_type3A_197 : vector<256x1024xi32> to vector<256x1024xf32>
      %convert_element_type3A_199 = arith.truncf %convert_element_type3A_198 : vector<256x1024xf32> to vector<256x1024xbf16>
      %mul3A_200 = arith.constant 1024 : i32
      %mul3A_201 = arith.muli %scan3A_188, %mul3A_200 : i32
      %get3A_202 = arith.index_cast %mul3A_201 : i32 to index
      %get3A_203 = arith.constant 0 : index
      %get3A_204 = vector.load %arg0[%get3A_202, %get3A_203] : memref<10240x8xf32, #tpu.memory_space<vmem>>, vector<1024x8xf32>
      %convert_element_type3A_205 = arith.truncf %get3A_204 : vector<1024x8xf32> to vector<1024x8xbf16>
      %convert_element_type3A_206 = arith.extf %convert_element_type3A_205 : vector<1024x8xbf16> to vector<1024x8xf32>
      %sub3A_207 = arith.subf %get3A_204, %convert_element_type3A_206 : vector<1024x8xf32>
      %convert_element_type3A_208 = arith.truncf %sub3A_207 : vector<1024x8xf32> to vector<1024x8xbf16>
      %dot_general3A_209 = arith.constant dense<0.000000e+00> : vector<256x8xf32>
      %dot_general3A_210 = tpu.matmul %convert_element_type3A_199, %convert_element_type3A_205, %dot_general3A_209 {dimension_numbers = #tpu.dot_dimension_numbers<[1], [0], [0], [1], [0, 0, 1, 1], [], []>, transpose_lhs_hint = false} : vector<256x1024xbf16>, vector<1024x8xbf16>, vector<256x8xf32> -> vector<256x8xf32>
      %dot_general3A_211 = arith.constant dense<0.000000e+00> : vector<256x8xf32>
      %dot_general3A_212 = tpu.matmul %convert_element_type3A_199, %convert_element_type3A_208, %dot_general3A_211 {dimension_numbers = #tpu.dot_dimension_numbers<[1], [0], [0], [1], [0, 0, 1, 1], [], []>, transpose_lhs_hint = false} : vector<256x1024xbf16>, vector<1024x8xbf16>, vector<256x8xf32> -> vector<256x8xf32>
      %add3A_213 = arith.addf %dot_general3A_210, %dot_general3A_212 : vector<256x8xf32>
      %add3A_214 = arith.addf %scan3A_189, %add3A_213 : vector<256x8xf32>
      scf.yield %add3A_214 : vector<256x8xf32>
    }
    %scan3A_110 = arith.constant 10 : i32
    %mul3A_111 = arith.mulf %scan3A_109, %scan3A_109 : vector<256x8xf32>
    %reduce_sum3A_112 = arith.constant dense<0.000000e+00> : vector<256xf32>
    %reduce_sum3A_113 = vector.multi_reduction <add>, %mul3A_111, %reduce_sum3A_112 [1] : vector<256x8xf32> to vector<256xf32>
    %broadcast_in_dim3A_114 = vector.shape_cast %reduce_sum3A_113 : vector<256xf32> to vector<256x1xf32>
    %convert_element_type3A = arith.truncf %scan3A_109 : vector<256x8xf32> to vector<256x8xbf16>
    %convert_element_type3A_115 = arith.extf %convert_element_type3A : vector<256x8xbf16> to vector<256x8xf32>
    %sub3A = arith.subf %scan3A_109, %convert_element_type3A_115 : vector<256x8xf32>
    %convert_element_type3A_116 = arith.truncf %sub3A : vector<256x8xf32> to vector<256x8xbf16>
    %add3A_117 = arith.constant 1.000000e+00 : f32
    %add3A_118 = vector.broadcast %add3A_117 : f32 to vector<256x1xf32>
    %add3A_119 = arith.addf %add3A_118, %concatenate3A : vector<256x1xf32>
    %sub3A_120 = arith.constant 1.000000e+00 : f32
    %sub3A_121 = vector.broadcast %sub3A_120 : f32 to vector<256x1xf32>
    %sub3A_122 = arith.subf %sub3A_121, %concatenate3A : vector<256x1xf32>
    %div3A = arith.divf %add3A_119, %sub3A_122 : vector<256x1xf32>
    %log3A = math.log %div3A : vector<256x1xf32>
    %mul3A_123 = arith.constant 5.000000e-01 : f32
    %mul3A_124 = vector.broadcast %mul3A_123 : f32 to vector<256x1xf32>
    %mul3A_125 = arith.mulf %mul3A_124, %log3A : vector<256x1xf32>
    %mul3A_126 = arith.mulf %mul3A_125, %mul3A_125 : vector<256x1xf32>
    %add3A_127 = arith.constant 5.000000e-01 : f32
    %add3A_128 = vector.broadcast %add3A_127 : f32 to vector<256x1xf32>
    %add3A_129 = arith.addf %mul3A_126, %add3A_128 : vector<256x1xf32>
    %iota3A_130 = tpu.iota {dimensions = array<i32: 1>} : vector<256x256xi32>
    %eq3A_131 = vector.broadcast %iota3A : vector<256x1xi32> to vector<256x256xi32>
    %eq3A_132 = arith.cmpi eq, %eq3A_131, %iota3A_130 : vector<256x256xi32>
    %convert_element_type3A_133 = arith.extui %eq3A_132 : vector<256x256xi1> to vector<256x256xi32>
    %convert_element_type3A_134 = arith.sitofp %convert_element_type3A_133 : vector<256x256xi32> to vector<256x256xf32>
    %dot_general3A = arith.constant dense<0.000000e+00> : vector<1x256xf32>
    %dot_general3A_135 = tpu.matmul %broadcast_in_dim3A_114, %convert_element_type3A_134, %dot_general3A {dimension_numbers = #tpu.dot_dimension_numbers<[0], [0], [1], [1], [0, 1, 1, 1], [], []>, precision = #tpu.contract_precision<fp32>, transpose_lhs_hint = false} : vector<256x1xf32>, vector<256x256xf32>, vector<1x256xf32> -> vector<1x256xf32>
    %dot_general3A_136 = arith.constant dense<0.000000e+00> : vector<1x256xf32>
    %dot_general3A_137 = tpu.matmul %add3A_129, %convert_element_type3A_134, %dot_general3A_136 {dimension_numbers = #tpu.dot_dimension_numbers<[0], [0], [1], [1], [0, 1, 1, 1], [], []>, precision = #tpu.contract_precision<fp32>, transpose_lhs_hint = false} : vector<256x1xf32>, vector<256x256xf32>, vector<1x256xf32> -> vector<1x256xf32>
    %slice3A = vector.extract_strided_slice %dot_general3A_137 {offsets = [0, 0], sizes = [1, 128], strides = [1, 1]} : vector<1x256xf32> to vector<1x128xf32>
    %slice3A_138 = vector.extract_strided_slice %dot_general3A_137 {offsets = [0, 128], sizes = [1, 128], strides = [1, 1]} : vector<1x256xf32> to vector<1x128xf32>
    %broadcast_in_dim3A_139 = arith.constant 0.000000e+00 : f32
    %broadcast_in_dim3A_140 = vector.broadcast %broadcast_in_dim3A_139 : f32 to vector<1x1xf32>
    %scan3A_141 = arith.constant 0 : i32
    %scan3A_142 = arith.constant 10 : i32
    %scan3A_143 = arith.addi %scan3A_141, %scan3A_142 : i32
    %scan3A_144 = arith.constant 1 : i32
    %scan3A_145 = scf.for %scan3A_188 = %scan3A_141 to %scan3A_143 step %scan3A_144 iter_args(%scan3A_189 = %broadcast_in_dim3A_140) -> (vector<1x1xf32>)  : i32 {
      %mul3A_190 = arith.constant 1024 : i32
      %mul3A_191 = arith.muli %scan3A_188, %mul3A_190 : i32
      %get3A_192 = arith.index_cast %mul3A_191 : i32 to index
      %get3A_193 = arith.constant 0 : index
      %get3A_194 = vector.load %arg0[%get3A_192, %get3A_193] : memref<10240x8xf32, #tpu.memory_space<vmem>>, vector<1024x8xf32>
      %mul3A_195 = arith.mulf %get3A_194, %get3A_194 : vector<1024x8xf32>
      %reduce_sum3A_196 = arith.constant dense<0.000000e+00> : vector<1024xf32>
      %reduce_sum3A_197 = vector.multi_reduction <add>, %mul3A_195, %reduce_sum3A_196 [1] : vector<1024x8xf32> to vector<1024xf32>
      %broadcast_in_dim3A_198 = vector.shape_cast %reduce_sum3A_197 : vector<1024xf32> to vector<1024x1xf32>
      %convert_element_type3A_199 = arith.truncf %get3A_194 : vector<1024x8xf32> to vector<1024x8xbf16>
      %convert_element_type3A_200 = arith.extf %convert_element_type3A_199 : vector<1024x8xbf16> to vector<1024x8xf32>
      %sub3A_201 = arith.subf %get3A_194, %convert_element_type3A_200 : vector<1024x8xf32>
      %convert_element_type3A_202 = arith.truncf %sub3A_201 : vector<1024x8xf32> to vector<1024x8xbf16>
      %dot_general3A_203 = arith.constant dense<0.000000e+00> : vector<1024x256xf32>
      %dot_general3A_204 = tpu.matmul %convert_element_type3A_199, %convert_element_type3A, %dot_general3A_203 {dimension_numbers = #tpu.dot_dimension_numbers<[1], [1], [0], [0], [0, 0, 1, 0], [], []>, transpose_lhs_hint = false} : vector<1024x8xbf16>, vector<256x8xbf16>, vector<1024x256xf32> -> vector<1024x256xf32>
      %dot_general3A_205 = arith.constant dense<0.000000e+00> : vector<1024x256xf32>
      %dot_general3A_206 = tpu.matmul %convert_element_type3A_199, %convert_element_type3A_116, %dot_general3A_205 {dimension_numbers = #tpu.dot_dimension_numbers<[1], [1], [0], [0], [0, 0, 1, 0], [], []>, transpose_lhs_hint = false} : vector<1024x8xbf16>, vector<256x8xbf16>, vector<1024x256xf32> -> vector<1024x256xf32>
      %add3A_207 = arith.addf %dot_general3A_204, %dot_general3A_206 : vector<1024x256xf32>
      %dot_general3A_208 = arith.constant dense<0.000000e+00> : vector<1024x256xf32>
      %dot_general3A_209 = tpu.matmul %convert_element_type3A_202, %convert_element_type3A, %dot_general3A_208 {dimension_numbers = #tpu.dot_dimension_numbers<[1], [1], [0], [0], [0, 0, 1, 0], [], []>, transpose_lhs_hint = false} : vector<1024x8xbf16>, vector<256x8xbf16>, vector<1024x256xf32> -> vector<1024x256xf32>
      %add3A_210 = arith.addf %add3A_207, %dot_general3A_209 : vector<1024x256xf32>
      %add3A_211 = vector.broadcast %broadcast_in_dim3A_198 : vector<1024x1xf32> to vector<1024x256xf32>
      %add3A_212 = vector.broadcast %dot_general3A_135 : vector<1x256xf32> to vector<1024x256xf32>
      %add3A_213 = arith.addf %add3A_211, %add3A_212 : vector<1024x256xf32>
      %mul3A_214 = arith.constant 2.000000e+00 : f32
      %mul3A_215 = vector.broadcast %mul3A_214 : f32 to vector<1024x256xf32>
      %mul3A_216 = arith.mulf %mul3A_215, %add3A_210 : vector<1024x256xf32>
      %sub3A_217 = arith.subf %add3A_213, %mul3A_216 : vector<1024x256xf32>
      %slice3A_218 = vector.extract_strided_slice %sub3A_217 {offsets = [0, 0], sizes = [1024, 128], strides = [1, 1]} : vector<1024x256xf32> to vector<1024x128xf32>
      %slice3A_219 = vector.extract_strided_slice %sub3A_217 {offsets = [0, 128], sizes = [1024, 128], strides = [1, 1]} : vector<1024x256xf32> to vector<1024x128xf32>
      %mul3A_220 = arith.constant 1024 : i32
      %mul3A_221 = arith.muli %scan3A_188, %mul3A_220 : i32
      %get3A_222 = arith.index_cast %mul3A_221 : i32 to index
      %get3A_223 = arith.constant 0 : index
      %get3A_224 = vector.load %arg7[%get3A_222, %get3A_223] : memref<10240x128xf32, #tpu.memory_space<vmem>>, vector<1024x128xf32>
      %mul3A_225 = arith.constant 1024 : i32
      %mul3A_226 = arith.muli %scan3A_188, %mul3A_225 : i32
      %get3A_227 = arith.index_cast %mul3A_226 : i32 to index
      %get3A_228 = arith.constant 0 : index
      %get3A_229 = vector.load %arg8[%get3A_227, %get3A_228] : memref<10240x128xf32, #tpu.memory_space<vmem>>, vector<1024x128xf32>
      %gt3A_230 = arith.constant 5.000000e-01 : f32
      %gt3A_231 = vector.broadcast %gt3A_230 : f32 to vector<1024x128xf32>
      %gt3A_232 = arith.cmpf ogt, %get3A_224, %gt3A_231 : vector<1024x128xf32>
      %sub3A_233 = arith.constant 1.000000e+00 : f32
      %sub3A_234 = vector.broadcast %sub3A_233 : f32 to vector<1024x128xf32>
      %sub3A_235 = arith.subf %sub3A_234, %slice3A_218 : vector<1024x128xf32>
      %max3A_236 = arith.constant 0.000000e+00 : f32
      %max3A_237 = vector.broadcast %max3A_236 : f32 to vector<1024x128xf32>
      %max3A_238 = arith.maximumf %sub3A_235, %max3A_237 : vector<1024x128xf32>
      %select_n3A_239 = arith.select %gt3A_232, %slice3A_218, %max3A_238 : vector<1024x128xi1>, vector<1024x128xf32>
      %gt3A_240 = arith.constant 5.000000e-01 : f32
      %gt3A_241 = vector.broadcast %gt3A_240 : f32 to vector<1024x128xf32>
      %gt3A_242 = arith.cmpf ogt, %get3A_229, %gt3A_241 : vector<1024x128xf32>
      %sub3A_243 = arith.constant 1.000000e+00 : f32
      %sub3A_244 = vector.broadcast %sub3A_243 : f32 to vector<1024x128xf32>
      %sub3A_245 = arith.subf %sub3A_244, %slice3A_219 : vector<1024x128xf32>
      %max3A_246 = arith.constant 0.000000e+00 : f32
      %max3A_247 = vector.broadcast %max3A_246 : f32 to vector<1024x128xf32>
      %max3A_248 = arith.maximumf %sub3A_245, %max3A_247 : vector<1024x128xf32>
      %select_n3A_249 = arith.select %gt3A_242, %slice3A_219, %max3A_248 : vector<1024x128xi1>, vector<1024x128xf32>
      %mul3A_250 = vector.broadcast %slice3A : vector<1x128xf32> to vector<1024x128xf32>
      %mul3A_251 = arith.mulf %select_n3A_239, %mul3A_250 : vector<1024x128xf32>
      %reduce_sum3A_252 = arith.constant dense<0.000000e+00> : vector<1024xf32>
      %reduce_sum3A_253 = vector.multi_reduction <add>, %mul3A_251, %reduce_sum3A_252 [1] : vector<1024x128xf32> to vector<1024xf32>
      %broadcast_in_dim3A_254 = vector.shape_cast %reduce_sum3A_253 : vector<1024xf32> to vector<1024x1xf32>
      %mul3A_255 = vector.broadcast %slice3A_138 : vector<1x128xf32> to vector<1024x128xf32>
      %mul3A_256 = arith.mulf %select_n3A_249, %mul3A_255 : vector<1024x128xf32>
      %reduce_sum3A_257 = arith.constant dense<0.000000e+00> : vector<1024xf32>
      %reduce_sum3A_258 = vector.multi_reduction <add>, %mul3A_256, %reduce_sum3A_257 [1] : vector<1024x128xf32> to vector<1024xf32>
      %broadcast_in_dim3A_259 = vector.shape_cast %reduce_sum3A_258 : vector<1024xf32> to vector<1024x1xf32>
      %add3A_260 = arith.addf %broadcast_in_dim3A_254, %broadcast_in_dim3A_259 : vector<1024x1xf32>
      %get3A_261 = arith.index_cast %scan3A_188 : i32 to index
      %get3A_262 = arith.constant 0 : index
      %get3A_263 = vector.load %arg1[%get3A_261, %get3A_262] : memref<10x1024xf32, #tpu.memory_space<vmem>>, vector<1x1024xf32>
      %mul3A_264 = arith.constant 1024 : i32
      %mul3A_265 = arith.muli %scan3A_188, %mul3A_264 : i32
      %add3A_266 = vector.broadcast %mul3A_265 : i32 to vector<1x1024xi32>
      %add3A_267 = arith.addi %add3A_266, %iota3A_1 : vector<1x1024xi32>
      %lt3A_268 = arith.constant 10000 : i32
      %lt3A_269 = vector.broadcast %lt3A_268 : i32 to vector<1x1024xi32>
      %lt3A_270 = arith.cmpi slt, %add3A_267, %lt3A_269 : vector<1x1024xi32>
      %add3A_271 = arith.constant 1.000000e+00 : f32
      %add3A_272 = vector.broadcast %add3A_271 : f32 to vector<1x1024xf32>
      %add3A_273 = arith.addf %add3A_272, %get3A_263 : vector<1x1024xf32>
      %sub3A_274 = arith.constant 1.000000e+00 : f32
      %sub3A_275 = vector.broadcast %sub3A_274 : f32 to vector<1x1024xf32>
      %sub3A_276 = arith.subf %sub3A_275, %get3A_263 : vector<1x1024xf32>
      %div3A_277 = arith.divf %add3A_273, %sub3A_276 : vector<1x1024xf32>
      %log3A_278 = math.log %div3A_277 : vector<1x1024xf32>
      %mul3A_279 = arith.constant 5.000000e-01 : f32
      %mul3A_280 = vector.broadcast %mul3A_279 : f32 to vector<1x1024xf32>
      %mul3A_281 = arith.mulf %mul3A_280, %log3A_278 : vector<1x1024xf32>
      %mul3A_282 = arith.mulf %mul3A_281, %mul3A_281 : vector<1x1024xf32>
      %add3A_283 = arith.constant 5.000000e-01 : f32
      %add3A_284 = vector.broadcast %add3A_283 : f32 to vector<1x1024xf32>
      %add3A_285 = arith.addf %mul3A_282, %add3A_284 : vector<1x1024xf32>
      %jit3A_286 = arith.constant 0.000000e+00 : f32
      %broadcast_in_dim3A_287 = vector.broadcast %jit3A_286 : f32 to vector<1x1024xf32>
      %select_n3A_288 = arith.select %lt3A_270, %add3A_285, %broadcast_in_dim3A_287 : vector<1x1024xi1>, vector<1x1024xf32>
      %dot_general3A_289 = arith.constant dense<0.000000e+00> : vector<1x1xf32>
      %dot_general3A_290 = tpu.matmul %select_n3A_288, %add3A_260, %dot_general3A_289 {dimension_numbers = #tpu.dot_dimension_numbers<[1], [0], [0], [1], [0, 0, 1, 1], [], []>, precision = #tpu.contract_precision<fp32>, transpose_lhs_hint = false} : vector<1x1024xf32>, vector<1024x1xf32>, vector<1x1xf32> -> vector<1x1xf32>
      %add3A_291 = arith.addf %scan3A_189, %dot_general3A_290 : vector<1x1xf32>
      scf.yield %add3A_291 : vector<1x1xf32>
    }
    %scan3A_146 = arith.constant 10 : i32
    %squeeze3A = vector.extract %scan3A_145[0, 0] : f32 from vector<1x1xf32>
    %div3A_147 = arith.constant 1.000000e+04 : f32
    %div3A_148 = arith.divf %squeeze3A, %div3A_147 : f32
    %reduce_sum3A_149 = vector.shape_cast %concatenate3A : vector<256x1xf32> to vector<1x256x1xf32>
    %reduce_sum3A_150 = arith.constant dense<0.000000e+00> : vector<1xf32>
    %reduce_sum3A_151 = vector.multi_reduction <add>, %reduce_sum3A_149, %reduce_sum3A_150 [1, 2] : vector<1x256x1xf32> to vector<1xf32>
    %reduce_sum3A_152 = vector.shape_cast %reduce_sum3A_151 : vector<1xf32> to vector<1x1x1xf32>
    %reduce_sum3A_153 = vector.extract %reduce_sum3A_152[0, 0, 0] : f32 from vector<1x1x1xf32>
    %div3A_154 = arith.constant 2.560000e+02 : f32
    %div3A_155 = arith.divf %reduce_sum3A_153, %div3A_154 : f32
    %sub3A_156 = arith.constant 1.000000e+00 : f32
    %sub3A_157 = arith.subf %sub3A_156, %div3A_155 : f32
    %gt3A = arith.constant 0.000000e+00 : f32
    %gt3A_158 = arith.cmpf ogt, %reduce_sum3A_26, %gt3A : f32
    %max3A = arith.constant 1.000000e+00 : f32
    %max3A_159 = arith.maximumf %reduce_sum3A_26, %max3A : f32
    %div3A_160 = arith.divf %reduce_sum3A_34, %max3A_159 : f32
    %jit3A_161 = arith.constant 0.000000e+00 : f32
    %select_n3A_162 = arith.select %gt3A_158, %div3A_160, %jit3A_161 : f32
    %add3A_163 = arith.addf %sub3A_157, %select_n3A_162 : f32
    %iota3A_164 = tpu.iota {dimensions = array<i32: 0>} : vector<8x128xi32>
    %iota3A_165 = tpu.iota {dimensions = array<i32: 1>} : vector<8x128xi32>
    %eq3A_166 = arith.constant 0 : i32
    %eq3A_167 = vector.broadcast %eq3A_166 : i32 to vector<8x128xi32>
    %eq3A_168 = arith.cmpi eq, %iota3A_164, %eq3A_167 : vector<8x128xi32>
    %eq3A_169 = arith.constant 0 : i32
    %eq3A_170 = vector.broadcast %eq3A_169 : i32 to vector<8x128xi32>
    %eq3A_171 = arith.cmpi eq, %iota3A_165, %eq3A_170 : vector<8x128xi32>
    %and3A_172 = arith.andi %eq3A_168, %eq3A_171 : vector<8x128xi1>
    %eq3A_173 = arith.constant 0 : i32
    %eq3A_174 = vector.broadcast %eq3A_173 : i32 to vector<8x128xi32>
    %eq3A_175 = arith.cmpi eq, %iota3A_164, %eq3A_174 : vector<8x128xi32>
    %eq3A_176 = arith.constant 1 : i32
    %eq3A_177 = vector.broadcast %eq3A_176 : i32 to vector<8x128xi32>
    %eq3A_178 = arith.cmpi eq, %iota3A_165, %eq3A_177 : vector<8x128xi32>
    %and3A_179 = arith.andi %eq3A_175, %eq3A_178 : vector<8x128xi1>
    %jit3A_180 = arith.constant 0.000000e+00 : f32
    %broadcast_in_dim3A_181 = vector.broadcast %div3A_148 : f32 to vector<8x128xf32>
    %broadcast_in_dim3A_182 = vector.broadcast %jit3A_180 : f32 to vector<8x128xf32>
    %select_n3A_183 = arith.select %and3A_179, %broadcast_in_dim3A_181, %broadcast_in_dim3A_182 : vector<8x128xi1>, vector<8x128xf32>
    %broadcast_in_dim3A_184 = vector.broadcast %add3A_163 : f32 to vector<8x128xf32>
    %select_n3A_185 = arith.select %and3A_172, %broadcast_in_dim3A_184, %select_n3A_183 : vector<8x128xi1>, vector<8x128xf32>
    %swap3A = arith.constant 0 : index
    %swap3A_186 = arith.constant 0 : index
    %swap3A_187 = vector.load %arg9[%swap3A, %swap3A_186] : memref<8x128xf32, #tpu.memory_space<vmem>>, vector<8x128xf32>
    tpu.vector_store %arg9[%swap3A, %swap3A_186], %select_n3A_185 {strides = array<i32>} : memref<8x128xf32, #tpu.memory_space<vmem>>, vector<8x128xf32>,
    return
  }
}

</mosaic_0001>

<sc_bundles>
// kernel: kernel.4.cloned.1.call-start
scs
__scs_entry_jumppad:
0x0: {  	(pc) =	sbr.rel $0x88, $3  }
0x1: {  	(tag) =	ssettag $0x0;
	lr =	simm.s32 $0x1  }
0x2: {  	[smem:$0x3F9C] =	sst lr;
	_ =	strace $0xD0000000  }
0x3: {  	_ = 	snop  }
0x4: {  	_ = 	snop  }
0x5: {  	_ = 	snop  }
0x6: {  	_ = 	snop  }
0x7: {  	_ = 	snop  }
__scs_overlays_trampoline_lowered:
0x8: {  	[smem:$0x3FAB] =	sst s0  }
0x9: {  	[smem:$0x3FAC] =	sst s1  }
0xa: {  	[smem:$0x3FAD] =	sst s2  }
0xb: {  	[smem:$0x3FAE] =	sst s3  }
0xc: {  	[smem:$0x3FAF] =	sst s4  }
0xd: {  	[smem:$0x3FB0] =	sst s5  }
0xe: {  	[smem:$0x3FB1] =	sst s6  }
0xf: {  	[smem:$0x3FB2] =	sst s7  }
0x10: {  	[smem:$0x3FB3] =	sst s8  }
0x11: {  	[smem:$0x3FB4] =	sst s9;
	s0 =	simm.s32 @!p0 $0x0  }
0x12: {  	s1 =	sld [smem:$0x3F9A];
	s0 =	simm.s32 @p0 $0x1  }
0x13: {  	[smem:$0x3FB5] =	sst s0;
	s0 =	simm.s32 @!p1 $0x0  }
0x14: {  	s2 =	sld [smem:$0x3F99];
	s0 =	simm.s32 @p1 $0x1  }
0x15: {  	[smem:$0x3FB6] =	sst s0;
	s0 =	simm.s32 @!p2 $0x0  }
0x16: {  	s3 =	sld [smem:$0x3FDB];
	s0 =	simm.s32 @p2 $0x1  }
0x17: {  	s4 =	simm.s32 $0x1BF5;
	[smem:$0x3FB8] =	sst s0  }
0x18: {  	s0 =	sld [smem:$0x3F9B];
	_ =	swait.ge [sflag:s4], $0x0  }
0x19: {  	s7 =	sld [smem:$0x3F9C]  }
0x1a: {  	s8 =	sadd.s32 $0xFFFFE003, lr  }
0x1b: {  	s9 =	sadd.s32 $0xFFFFFEF7, lr;
	s5 =	simm.s32 $0xFFFFFFFF;
	p2 =	slt.u32 s8, $0xFFFFF086  }
0x1c: {  	p1 =	slt.u32 s9, $0xF7A;
	s5 =	simm.s32 @!p2 $0x0  }
0x1d: {  	s5 =	simm.s32 @p1 $0x1;
	p0 =	seq.s32 s7, s2  }
0x1e: {  	s7 =	smul.u32 @!p0 $0xF7A, s2;
	p2 =	seq.s32 @!p0 s5, $0x0  }
0x1f: {  	s9 =	smul.u32 $0xF7A, s1;
	s8 =	simm.s32 @!p0 $0x1BF5;
	p2 =	por !p2, p0  }
0x20: {  	[sflag:s8] =	ssyncset.s32 @!p0 $0xFFFFF086;
	s6 =	sadd.s32 @!p0 s3, s7;
	s7 =	simm.s32 @!p0 $0x108  }
0x21: {  	s3 =	sadd.s32 s3, s9;
	s6 =	sadd.s32 @!p0 $0x88, s6;
	s7 =	simm.s32 @p2 $0x1082  }
0x22: {  	[simem:s7], [sflag:s8] =	dma.local @!p0 [hbm:s6], $0xF7A  }
0x23: {  	s9 =	sor.u32 $0xD0000000, s2;
	s6 =	simm.s32 $0x108;
	_ =	swait.ge @!p0 [sflag:s8], $0x0  }
0x24: {  	s3 =	sadd.s32 $0x88, s3;
	s6 =	simm.s32 @!p1 $0x1082;
	[sflag:s4] =	ssyncset.s32 $0xFFFFF086  }
0x25: {  	[simem:s6], [sflag:s4] =	dma.local [hbm:s3], $0xF7A  }
0x26: {  	[smem:$0x3F9C] =	sst s1;
	(tag) =	ssettag s2;
	_ =	strace s9  }
0x27: {  	s1 =	sld [smem:$0x3FAC]  }
0x28: {  	s2 =	sld [smem:$0x3FAD]  }
0x29: {  	s4 =	sld [smem:$0x3FAF]  }
0x2a: {  	p0 =	seq.s32 s5, $0x0;
	s5 =	sld [smem:$0x3FB0]  }
0x2b: {  	s6 =	sld [smem:$0x3FB1]  }
0x2c: {  	s7 =	sld [smem:$0x3FB2]  }
0x2d: {  	s3 =	simm.s32 $0x108;
	s8 =	sld [smem:$0x3FB3]  }
0x2e: {  	s3 =	simm.s32 @!p0 $0x1082;
	s9 =	sld [smem:$0x3FB4]  }
0x2f: {  	lr =	sadd.s32 s0, s3;
	s0 =	sld [smem:$0x3FAB]  }
0x30: {  	s3 =	sld [smem:$0x3FAE]  }
0x31: {  	[smem:$0x3FB7] =	sst s10  }
0x32: {  	s10 =	sld [smem:$0x3FB5];
	_ =	sdelay $0x3  }
0x33: {  	p0 =	seq.s32 s10, $0x1;
	s10 =	sld [smem:$0x3FB7];
	_ =	sdelay $0x3  }
0x34: {  	[smem:$0x3FB7] =	sst s10  }
0x35: {  	s10 =	sld [smem:$0x3FB6];
	_ =	sdelay $0x3  }
0x36: {  	p1 =	seq.s32 s10, $0x1;
	s10 =	sld [smem:$0x3FB7];
	_ =	sdelay $0x3  }
0x37: {  	[smem:$0x3FB7] =	sst s10  }
0x38: {  	s10 =	sld [smem:$0x3FB8]  }
0x39: {  	_ = 	snop;
	(pc) =	sbr.ind lr, $3  }
0x3a: {  	_ = 	snop  }
0x3b: {  	_ = 	snop  }
0x3c: {  	p2 =	seq.s32 s10, $0x1;
	s10 =	sld [smem:$0x3FB7]  }
0x3d: {  	_ =	shalt  }
0x3e: {  	_ =	shalt  }
0x3f: {  	_ =	shalt  }
0x40: {  	_ =	shalt  }
0x41: {  	_ =	shalt  }
0x42: {  	_ =	shalt  }
0x43: {  	_ =	shalt  }
0x44: {  	_ =	shalt  }
0x45: {  	_ =	shalt  }
0x46: {  	_ =	shalt  }
0x47: {  	_ =	shalt  }
0x48: {  	_ =	shalt  }
0x49: {  	_ =	shalt  }
0x4a: {  	_ =	shalt  }
0x4b: {  	_ =	shalt  }
0x4c: {  	_ =	shalt  }
0x4d: {  	_ =	shalt  }
0x4e: {  	_ =	shalt  }
0x4f: {  	_ =	shalt  }
0x50: {  	_ =	shalt  }
0x51: {  	_ =	shalt  }
0x52: {  	_ =	shalt  }
0x53: {  	_ =	shalt  }
0x54: {  	_ =	shalt  }
0x55: {  	_ =	shalt  }
0x56: {  	_ =	shalt  }
0x57: {  	_ =	shalt  }
0x58: {  	_ =	shalt  }
0x59: {  	_ =	shalt  }
0x5a: {  	_ =	shalt  }
0x5b: {  	_ =	shalt  }
0x5c: {  	_ =	shalt  }
0x5d: {  	_ =	shalt  }
0x5e: {  	_ =	shalt  }
0x5f: {  	_ =	shalt  }
0x60: {  	_ =	shalt  }
0x61: {  	_ =	shalt  }
0x62: {  	_ =	shalt  }
0x63: {  	_ =	shalt  }
0x64: {  	_ =	shalt  }
0x65: {  	_ =	shalt  }
0x66: {  	_ =	shalt  }
0x67: {  	_ =	shalt  }
0x68: {  	_ =	shalt  }
0x69: {  	_ =	shalt  }
0x6a: {  	_ =	shalt  }
0x6b: {  	_ =	shalt  }
0x6c: {  	_ =	shalt  }
0x6d: {  	_ =	shalt  }
0x6e: {  	_ =	shalt  }
0x6f: {  	_ =	shalt  }
0x70: {  	_ =	shalt  }
0x71: {  	_ =	shalt  }
0x72: {  	_ =	shalt  }
0x73: {  	_ =	shalt  }
0x74: {  	_ =	shalt  }
0x75: {  	_ =	shalt  }
0x76: {  	_ =	shalt  }
0x77: {  	_ =	shalt  }
0x78: {  	_ =	shalt  }
0x79: {  	_ =	shalt  }
0x7a: {  	_ =	shalt  }
0x7b: {  	_ =	shalt  }
0x7c: {  	_ =	shalt  }
0x7d: {  	_ =	shalt  }
0x7e: {  	_ =	shalt  }
0x7f: {  	_ =	shalt  }
0x80: {  	_ =	shalt  }
0x81: {  	_ =	shalt  }
0x82: {  	_ =	shalt  }
0x83: {  	_ =	shalt  }
0x84: {  	_ =	shalt  }
0x85: {  	_ =	shalt  }
0x86: {  	_ =	shalt  }
0x87: {  	_ =	shalt  }
.Lfunc_end0:
.L_simem_size_0:
called_computation_lowered:
.L_overlay_start_0:
0x88: {  	s2 =	sld [smem:$0x3FD9]  }
0x89: {  	s3 =	sld [smem:$0x3FFE];
	_ =	sdelay $0x1  }
0x8a: {  	s1 =	srdreg.scid  }
0x8b: {  	s0 =	sand.u32 $0x1, s1  }
0x8c: {  	s16 =	sshll.u32 s0, $0xA;
	s2 =	sadd.s32 s3, s2  }
0x8d: {  	s2 =	sadd.s32 s2, s16  }
0x8e: {  	[smem:$0x3FC3] =	sst s2  }
0x8f: {  	_ = 	snop  }
0x90: {  	(tm) =	ssettm $0x1  }
0x91: {  	s17 =	sld [smem:$0x3FFB];
	_ =	sdelay $0x3  }
0x92: {  	_ =	strace s17  }
0x93: {  	s2 =	sld [smem:$0x3FFC];
	_ =	sdelay $0x3  }
0x94: {  	_ =	strace s2  }
0x95: {  	s2 =	sld [smem:$0x3FFD];
	_ =	sdelay $0x3  }
0x96: {  	_ =	strace s2  }
0x97: {  	_ =	strace $0x8FFFFFFF  }
0x98: {  	s18 =	sld [smem:$0x3FDB];
	_ =	sdelay $0x1  }
0x99: {  	s19 =	simm.s32 $_scs_section_size  }
0x9a: {  	s4 =	simm.s32 $_size__tile_overlayer_lowered;
	s5 =	simm.s32 $_tile_overlayer_lowered  }
0x9b: {  	s22 =	simm.s32 $0x1BFF;
	s21 =	sshll.u32 s5, $0x1;
	s2 =	sadd.s32 s19, s18  }
0x9c: {  	s6 =	simm.s32 $0x0;
	s20 =	sshll.u32 s4, $0x1;
	s4 =	sadd.s32 s21, s2  }
0x9d: {  	[timem:s6], [sflag:s22] =	dma.local [hbm:s4], s20  }
0x9e: {  	_ =	swait.ge [sflag:s22], s20  }
0x9f: {  	s3 =	ssub.s32 $0x0, s20;
	[sflag:s22] =	ssyncset.done $0x0  }
0xa0: {  	[sflag:s22] =	ssyncadd.s32 s3;
	_ =	sdelay $0x1  }
0xa1: {  	s23 =	simm.s32 $0x1B8B  }
0xa2: {  	_ =	swait.ge [sflag:s23], $0x1  }
0xa3: {  	[sflag:s23] =	ssyncset.done $0x0  }
0xa4: {  	s25 =	simm.s32 $0x1B8E;
	s24 =	sld [smem:$0x3FFE];
	[sflag:s23] =	ssyncadd.s32 $0xFFFFFFFF  }
0xa5: {  	s26 =	simm.s32 $execute0_lowered;
	[smem:$0x3FD2] =	sst s25  }
0xa6: {  	s4 =	sshll.u32 s26, $0x1;
	_ =	strace $0x80000046;
	[dreg:$0x1] =	wrdreg $0xFFFFFFFF  }
0xa7: {  	s28 =	simm.s32 $_size_execute0_lowered;
	s2 =	sadd.s32 s2, s4;
	[dreg:$0x0] =	wrdreg $0x0  }
0xa8: {  	s4 =	sshll.u32 s28, $0x1;
	[dreg:$0x2] =	wrdreg s2  }
0xa9: {  	[dreg:$0x3] =	wrdreg s4  }
0xaa: {  	[dreg:$0x4] =	wrdreg $0xC0  }
0xab: {  	_ =	task [dreg:s6], $0x5FFFF  }
0xac: {  	[dreg:$0x1] =	wrdreg $0xFFFFFFFF  }
0xad: {  	[dreg:$0x0] =	wrdreg $0x60  }
0xae: {  	[dreg:$0x2] =	wrdreg s24  }
0xaf: {  	[dreg:$0x3] =	wrdreg $0x9  }
0xb0: {  	_ =	task.clear_ibuf [dreg:s6], $0x4FFFF;
	_ =	strace $0x90000046  }
0xb1: {  	s29 =	simm.s32 $0x9;
	_ =	strace $0x80000048  }
0xb2: {  	_ =	swait.ge [sflag:s29], $0x1  }
0xb3: {  	[sflag:s29] =	ssyncadd.s32 $0xFFFFFFFF  }
0xb4: {  	_ =	strace $0x90000048  }
0xb5: {  	_ =	sfence  }
0xb6: {  	s30 =	sld [smem:$0x0];
	_ =	sdelay $0x2  }
0xb7: {  	s31 =	sshll.u32 s1, $0xD;
	s1 =	sshrl.u32 s1, $0x2  }
0xb8: {  	s3 =	sand.u32 $0x4000, s31;
	s1 =	sadd.s32 s1, s30  }
0xb9: {  	s0 =	sor.u32 s3, s0;
	s1 =	sshll.u32 s1, $0x11  }
0xba: {  	s0 =	sor.u32 s1, s0  }
0xbb: {  	s0 =	sadd.s32 $0x8F2B, s0  }
0xbc: {  	[sflag:s0] =	ssyncadd.remote.s32 $0x1  }
0xbd: {  	_ =	sfence.sel $0xFFFF  }
0xbe: {  	[dreg:$0x0] =	wrdreg $0xFFFFFFFF;
	(pc) =	sbr.abs _section_cstart, $3  }
0xbf: {  	[dreg:$0x1] =	wrdreg $0xFFFFFFFF  }
0xc0: {  	_ =	task.clear_ibuf [dreg:s6], $0x2FFFF;
	_ =	strace $0x9FFFFFFF  }
0xc1: {  	(tm) =	ssettm $0x7FFFFFFF  }
tec
execute0_lowered:
.L_overlay_start_1:
0x0: {  	(tag) =	ssettag $0x1  }
0x1: {  	s7 =	rddreg [dreg:$0x0]  }
0x2: {  	s0 =	rddreg [dreg:$0x1]  }
0x3: {  	s3 =	srdreg.scid;
	s1 =	stileid.u32;
	s2 =	simm.s32 $0x0  }
0x4: {  	s12 =	simm.s32 $0x1;
	s13 =	simm.s32 $0x16800;
	s14 =	simm.s32 $0x19000  }
0x5: {  	s15 =	simm.s32 $0xA000;
	s8 =	sand.u32 $0x1, s3;
	s30 =	sshll.u32 s1, $0x1  }
0x6: {  	s16 =	simm.s32 $0x1B800;
	s17 =	simm.s32 $0x0;
	s6 =	sor.u32 s8, s30  }
0x7: {  	[smem:$0x7FF] =	sst s2;
	s4 =	sadd.s32 $0x1400, s7;
	s3 =	smul.u32 $0x140, s6  }
0x8: {  	s5 =	sadd.s32 $0xE00, s7;
	s8 =	ssub.s32 $0x2, s8;
	s9 =	smul.u32 $0x1400, s6  }
0x9: {  	_ =	strace $0x80000047;
	s6 =	sadd.s32 $0x800, s7;
	s31 =	sshrl.u32 s8, $0x1  }
0xa: {  	s11 =	ssub.s32 s8, s31;
	s10 =	sshrl.u32 s3, $0x3;
	s9 =	sadd.s32 s9, s7  }
0xb: {  	v1 =	vimm.f32 $0.0e+00;
	s10 =	sadd.s32 s10, s7;
	s7 =	sadd.s32 $0x1A00, s9;
	s8 =	sadd.s32 $0x29A00, s9  }
0xc: {  	vm0 =	vmxor vm0, vm0;
	v2 =	vimm.f32 $1.000000000e+00;
	v0 =	vmov s3;
	s9 =	sadd.s32 $0x51A00, s10;
	s10 =	smax.u32 s11, $0x1;
	s11 =	simm.s32 $0x14000  }
.LBB2_1:
0xd: {  	[tilespmem:s11], [sflag:$0x1] =	stream.linear.gather [hbm4b:s4+s2], $0x2800, $0x38;
	[tilespmem:$0x1B980] =	vst v63  }
0xe: {  	_ =	swait.ge [sflag:s12], $0x2800  }
0xf: {  	[sflag:s12] =	ssyncset.done $0x0  }
0x10: {  	[sflag:s12] =	ssyncadd.s32 $0xFFFFD800  }
0x11: {  	[tilespmem:s13], [sflag:$0x1] =	stream.linear.gather [hbm4b:s5+s2], $0x2800, $0x38;
	[tilespmem:$0x1B980] =	vst v63  }
0x12: {  	_ =	swait.ge [sflag:s12], $0x2800  }
0x13: {  	[sflag:s12] =	ssyncset.done $0x0  }
0x14: {  	[sflag:s12] =	ssyncadd.s32 $0xFFFFD800  }
0x15: {  	[tilespmem:s14], [sflag:$0x1] =	stream.linear.gather [hbm4b:s6+s2], $0x2800, $0x38;
	[tilespmem:$0x1B980] =	vst v63  }
0x16: {  	_ =	swait.ge [sflag:s12], $0x2800  }
0x17: {  	[sflag:s12] =	ssyncset.done $0x0  }
0x18: {  	s18 =	simm.s32 $0x0;
	s19 =	simm.s32 $0x200;
	[sflag:s12] =	ssyncadd.s32 $0xFFFFD800  }
.LBB2_2:
0x19: {  	p0 =	sne.s32 s19, $0x27E00;
	[tilespmem:s18+$0xA070] =	vst v1  }
0x1a: {  	[tilespmem:s18+$0x0] =	vst v1  }
0x1b: {  	[tilespmem:s18+$0xA000] =	vst v1  }
0x1c: {  	[tilespmem:s18+$0x10] =	vst v1  }
0x1d: {  	[tilespmem:s18+$0xA010] =	vst v1  }
0x1e: {  	[tilespmem:s18+$0x20] =	vst v1  }
0x1f: {  	[tilespmem:s18+$0xA020] =	vst v1  }
0x20: {  	[tilespmem:s18+$0x30] =	vst v1  }
0x21: {  	[tilespmem:s18+$0xA030] =	vst v1  }
0x22: {  	[tilespmem:s18+$0x40] =	vst v1  }
0x23: {  	[tilespmem:s18+$0xA040] =	vst v1  }
.Ltmp0:
0x24: {  	[tilespmem:s18+$0x50] =	vst v1;
	(pc) =	sbr.rel @p0 .LBB2_2-.Ltmp0, $4  }
0x25: {  	[tilespmem:s18+$0xA050] =	vst v1  }
0x26: {  	[tilespmem:s18+$0x60] =	vst v1  }
0x27: {  	[tilespmem:s18+$0xA060] =	vst v1  }
0x28: {  	[tilespmem:s18+$0x70] =	vst v1;
	s18 =	sshra.s32 s19, $0x2;
	s19 =	sadd.s32 $0x200, s19  }
0x29: {  	[tilespmem:s18+$0xA070] =	vst v1  }
0x2a: {  	[tilespmem:s18+$0x0] =	vst v1  }
0x2b: {  	[tilespmem:s18+$0xA000] =	vst v1  }
0x2c: {  	[tilespmem:s18+$0x10] =	vst v1  }
0x2d: {  	[tilespmem:s18+$0xA010] =	vst v1  }
0x2e: {  	[tilespmem:s18+$0x20] =	vst v1  }
0x2f: {  	[tilespmem:s18+$0xA020] =	vst v1  }
0x30: {  	[tilespmem:s18+$0x30] =	vst v1  }
0x31: {  	[tilespmem:s18+$0xA030] =	vst v1  }
0x32: {  	[tilespmem:s18+$0x40] =	vst v1  }
0x33: {  	[tilespmem:s18+$0xA040] =	vst v1  }
0x34: {  	[tilespmem:s18+$0x50] =	vst v1  }
0x35: {  	[tilespmem:s18+$0xA050] =	vst v1  }
0x36: {  	[tilespmem:s18+$0x60] =	vst v1  }
0x37: {  	[tilespmem:s18+$0xA060] =	vst v1  }
0x38: {  	[tilespmem:s18+$0x70] =	vst v1;
	s18 =	simm.s32 $0x30;
	s19 =	simm.s32 $0x16820;
	s20 =	simm.s32 $0x14020  }
.LBB2_4:
0x39: {  	v3 =	vld [tilespmem:s20+$0xFFFFFFE0];
	_ =	sdelay $0x1  }
0x3a: {  	v4 =	vld [tilespmem:s19+$0xFFFFFFE0];
	_ =	sdelay $0x1  }
0x3b: {  	s21 =	sadd.s32 $0xFFFFFFD0, s18  }
0x3c: {  	vm1 =	vmmov vm0;
	p0 =	slt.u32 s21, $0x2710;
	v3 =	vsub.s32 v3, v0  }
0x3d: {  	vm1 =	vmneg @p0 vm1;
	vm3 =	vgt.s32 v3, $0x0  }
0x3e: {  	v5 =	vand.u32 $0x7F, v4;
	vm2 =	vlt.u32 v3, $0x140;
	v3 =	vnsel vm3, $0x0, v3  }
0x3f: {  	vm1 =	vmand vm1, vm2;
	vm2 =	vlt.s32 v4, $0x80;
	v3 =	vmin.u32 v3, $0x13F  }
0x40: {  	vm3 =	vgt.s32 v4, $0x7F;
	vm2 =	vmand vm2, vm1;
	v3 =	vshll.u32 v3, $0x7  }
0x41: {  	vm1 =	vmand vm3, vm1;
	v3 =	vor.u32 v5, v3;
	_ =	sdelay $0x4  }
0x42: {  	[tilespmem:v3+s2+$0x0] =	vst.idx.msk vm2, v2  }
0x43: {  	[tilespmem:v3+s15+$0x0] =	vst.idx.msk vm1, v2  }
0x44: {  	v3 =	vld [tilespmem:s20+$0xFFFFFFF0];
	_ =	sdelay $0x1  }
0x45: {  	v58 =	vld [tilespmem:s19+$0xFFFFFFF0];
	_ =	sdelay $0x1  }
0x46: {  	s30 =	sadd.s32 $0xFFFFFFE0, s18  }
0x47: {  	p0 =	slt.u32 s30, $0x2710;
	vm1 =	vmmov vm0;
	v3 =	vsub.s32 v3, v0  }
0x48: {  	vm1 =	vmneg @p0 vm1;
	vm3 =	vgt.s32 v3, $0x0  }
0x49: {  	v59 =	vand.u32 $0x7F, v58;
	vm2 =	vlt.u32 v3, $0x140;
	v3 =	vnsel vm3, $0x0, v3  }
0x4a: {  	vm1 =	vmand vm1, vm2;
	vm2 =	vlt.s32 v58, $0x80;
	v3 =	vmin.u32 v3, $0x13F  }
0x4b: {  	vm3 =	vgt.s32 v58, $0x7F;
	vm2 =	vmand vm2, vm1;
	v3 =	vshll.u32 v3, $0x7  }
0x4c: {  	vm1 =	vmand vm3, vm1;
	v3 =	vor.u32 v59, v3;
	_ =	sdelay $0x4  }
0x4d: {  	[tilespmem:v3+s2+$0x0] =	vst.idx.msk vm2, v2  }
0x4e: {  	[tilespmem:v3+s15+$0x0] =	vst.idx.msk vm1, v2  }
0x4f: {  	v3 =	vld [tilespmem:s20+$0x0];
	_ =	sdelay $0x1  }
0x50: {  	v60 =	vld [tilespmem:s19+$0x0];
	_ =	sdelay $0x1  }
0x51: {  	s31 =	sadd.s32 $0xFFFFFFF0, s18  }
0x52: {  	p0 =	slt.u32 s31, $0x2710;
	vm1 =	vmmov vm0;
	v3 =	vsub.s32 v3, v0  }
0x53: {  	vm1 =	vmneg @p0 vm1;
	vm3 =	vgt.s32 v3, $0x0  }
0x54: {  	v61 =	vand.u32 $0x7F, v60;
	vm2 =	vlt.u32 v3, $0x140;
	v3 =	vnsel vm3, $0x0, v3  }
0x55: {  	vm1 =	vmand vm1, vm2;
	vm2 =	vlt.s32 v60, $0x80;
	v3 =	vmin.u32 v3, $0x13F  }
0x56: {  	vm3 =	vgt.s32 v60, $0x7F;
	vm2 =	vmand vm2, vm1;
	v3 =	vshll.u32 v3, $0x7  }
0x57: {  	vm1 =	vmand vm3, vm1;
	v3 =	vor.u32 v61, v3;
	_ =	sdelay $0x4  }
0x58: {  	[tilespmem:v3+s2+$0x0] =	vst.idx.msk vm2, v2  }
0x59: {  	[tilespmem:v3+s15+$0x0] =	vst.idx.msk vm1, v2  }
0x5a: {  	v3 =	vld [tilespmem:s20+$0x10];
	_ =	sdelay $0x1  }
0x5b: {  	v62 =	vld [tilespmem:s19+$0x10];
	_ =	sdelay $0x2  }
0x5c: {  	p0 =	slt.u32 s18, $0x2710;
	vm1 =	vmmov vm0;
	v3 =	vsub.s32 v3, v0  }
0x5d: {  	vm1 =	vmneg @p0 vm1;
	vm3 =	vgt.s32 v3, $0x0  }
0x5e: {  	v63 =	vand.u32 $0x7F, v62;
	vm2 =	vlt.u32 v3, $0x140;
	v3 =	vnsel vm3, $0x0, v3  }
0x5f: {  	vm1 =	vmand vm1, vm2;
	vm2 =	vlt.s32 v62, $0x80;
	v3 =	vmin.u32 v3, $0x13F  }
0x60: {  	vm3 =	vgt.s32 v62, $0x7F;
	vm2 =	vmand vm2, vm1;
	v3 =	vshll.u32 v3, $0x7  }
0x61: {  	vm1 =	vmand vm3, vm1;
	v3 =	vor.u32 v63, v3  }
0x62: {  	p0 =	sne.s32 s18, $0x27F0  }
.Ltmp1:
0x63: {  	_ = 	snop;
	(pc) =	sbr.rel @p0 .LBB2_4-.Ltmp1, $3  }
0x64: {  	_ =	sdelay $0x1  }
0x65: {  	[tilespmem:v3+s2+$0x0] =	vst.idx.msk vm2, v2  }
0x66: {  	s19 =	sadd.s32 $0x40, s19;
	s20 =	sadd.s32 $0x40, s20;
	s18 =	sadd.s32 $0x40, s18;
	[tilespmem:v3+s15+$0x0] =	vst.idx.msk vm1, v2  }
0x67: {  	v3 =	vld [tilespmem:s3+$0x14000];
	_ =	sdelay $0x7  }
0x68: {  	v3 =	vld.idx.msk [tilespmem:v3+s14+$0x0], $0xffff;
	_ =	sdelay $0x4  }
0x69: {  	[tilespmem:$0x1B800] =	vst v3  }
0x6a: {  	v3 =	vld [tilespmem:s3+$0x14010];
	_ =	sdelay $0x7  }
0x6b: {  	v3 =	vld.idx.msk [tilespmem:v3+s14+$0x0], $0xffff;
	_ =	sdelay $0x4  }
0x6c: {  	[tilespmem:$0x1B810] =	vst v3  }
0x6d: {  	v3 =	vld [tilespmem:s3+$0x14020];
	_ =	sdelay $0x7  }
0x6e: {  	v3 =	vld.idx.msk [tilespmem:v3+s14+$0x0], $0xffff;
	_ =	sdelay $0x4  }
0x6f: {  	[tilespmem:$0x1B820] =	vst v3  }
0x70: {  	v3 =	vld [tilespmem:s3+$0x14030];
	_ =	sdelay $0x7  }
0x71: {  	v3 =	vld.idx.msk [tilespmem:v3+s14+$0x0], $0xffff;
	_ =	sdelay $0x4  }
0x72: {  	[tilespmem:$0x1B830] =	vst v3  }
0x73: {  	v3 =	vld [tilespmem:s3+$0x14040];
	_ =	sdelay $0x7  }
0x74: {  	v3 =	vld.idx.msk [tilespmem:v3+s14+$0x0], $0xffff;
	_ =	sdelay $0x4  }
0x75: {  	[tilespmem:$0x1B840] =	vst v3  }
0x76: {  	v3 =	vld [tilespmem:s3+$0x14050];
	_ =	sdelay $0x7  }
0x77: {  	v3 =	vld.idx.msk [tilespmem:v3+s14+$0x0], $0xffff;
	_ =	sdelay $0x4  }
0x78: {  	[tilespmem:$0x1B850] =	vst v3  }
0x79: {  	v3 =	vld [tilespmem:s3+$0x14060];
	_ =	sdelay $0x7  }
0x7a: {  	v3 =	vld.idx.msk [tilespmem:v3+s14+$0x0], $0xffff;
	_ =	sdelay $0x4  }
0x7b: {  	[tilespmem:$0x1B860] =	vst v3  }
0x7c: {  	v3 =	vld [tilespmem:s3+$0x14070];
	_ =	sdelay $0x7  }
0x7d: {  	v3 =	vld.idx.msk [tilespmem:v3+s14+$0x0], $0xffff;
	_ =	sdelay $0x4  }
0x7e: {  	[tilespmem:$0x1B870] =	vst v3  }
0x7f: {  	v3 =	vld [tilespmem:s3+$0x14080];
	_ =	sdelay $0x7  }
0x80: {  	v3 =	vld.idx.msk [tilespmem:v3+s14+$0x0], $0xffff;
	_ =	sdelay $0x4  }
0x81: {  	[tilespmem:$0x1B880] =	vst v3  }
0x82: {  	v3 =	vld [tilespmem:s3+$0x14090];
	_ =	sdelay $0x7  }
0x83: {  	v3 =	vld.idx.msk [tilespmem:v3+s14+$0x0], $0xffff;
	_ =	sdelay $0x4  }
0x84: {  	[tilespmem:$0x1B890] =	vst v3  }
0x85: {  	v3 =	vld [tilespmem:s3+$0x140A0];
	_ =	sdelay $0x7  }
0x86: {  	v3 =	vld.idx.msk [tilespmem:v3+s14+$0x0], $0xffff;
	_ =	sdelay $0x4  }
0x87: {  	[tilespmem:$0x1B8A0] =	vst v3  }
0x88: {  	v3 =	vld [tilespmem:s3+$0x140B0];
	_ =	sdelay $0x7  }
0x89: {  	v3 =	vld.idx.msk [tilespmem:v3+s14+$0x0], $0xffff;
	_ =	sdelay $0x4  }
0x8a: {  	[tilespmem:$0x1B8B0] =	vst v3  }
0x8b: {  	v3 =	vld [tilespmem:s3+$0x140C0];
	_ =	sdelay $0x7  }
0x8c: {  	v3 =	vld.idx.msk [tilespmem:v3+s14+$0x0], $0xffff;
	_ =	sdelay $0x4  }
0x8d: {  	[tilespmem:$0x1B8C0] =	vst v3  }
0x8e: {  	v3 =	vld [tilespmem:s3+$0x140D0];
	_ =	sdelay $0x7  }
0x8f: {  	v3 =	vld.idx.msk [tilespmem:v3+s14+$0x0], $0xffff;
	_ =	sdelay $0x4  }
0x90: {  	[tilespmem:$0x1B8D0] =	vst v3  }
0x91: {  	v3 =	vld [tilespmem:s3+$0x140E0];
	_ =	sdelay $0x7  }
0x92: {  	v3 =	vld.idx.msk [tilespmem:v3+s14+$0x0], $0xffff;
	_ =	sdelay $0x4  }
0x93: {  	[tilespmem:$0x1B8E0] =	vst v3  }
0x94: {  	v3 =	vld [tilespmem:s3+$0x140F0];
	_ =	sdelay $0x7  }
0x95: {  	v3 =	vld.idx.msk [tilespmem:v3+s14+$0x0], $0xffff;
	_ =	sdelay $0x4  }
0x96: {  	[tilespmem:$0x1B8F0] =	vst v3  }
0x97: {  	v3 =	vld [tilespmem:s3+$0x14100];
	_ =	sdelay $0x7  }
0x98: {  	v3 =	vld.idx.msk [tilespmem:v3+s14+$0x0], $0xffff;
	_ =	sdelay $0x4  }
0x99: {  	[tilespmem:$0x1B900] =	vst v3  }
0x9a: {  	v3 =	vld [tilespmem:s3+$0x14110];
	_ =	sdelay $0x7  }
0x9b: {  	v3 =	vld.idx.msk [tilespmem:v3+s14+$0x0], $0xffff;
	_ =	sdelay $0x4  }
0x9c: {  	[tilespmem:$0x1B910] =	vst v3  }
0x9d: {  	v3 =	vld [tilespmem:s3+$0x14120];
	_ =	sdelay $0x7  }
0x9e: {  	v3 =	vld.idx.msk [tilespmem:v3+s14+$0x0], $0xffff;
	_ =	sdelay $0x4  }
0x9f: {  	[tilespmem:$0x1B920] =	vst v3  }
0xa0: {  	v3 =	vld [tilespmem:s3+$0x14130];
	_ =	sdelay $0x7  }
0xa1: {  	v3 =	vld.idx.msk [tilespmem:v3+s14+$0x0], $0xffff;
	_ =	sdelay $0x4  }
0xa2: {  	[tilespmem:$0x1B930] =	vst v3  }
0xa3: {  	[hbm4b:s7+s2] =	stream.linear.scatter [tilespmem:s2], [sflag:$0x1], $0xA000, $0x38;
	[tilespmem:$0x1B980] =	vst v63  }
0xa4: {  	_ =	swait.ge [sflag:s12], $0xA000  }
0xa5: {  	[sflag:s12] =	ssyncset.done $0x0  }
0xa6: {  	[sflag:s12] =	ssyncadd.s32 $0xFFFF6000  }
0xa7: {  	[hbm4b:s8+s2] =	stream.linear.scatter [tilespmem:s15], [sflag:$0x1], $0xA000, $0x38;
	[tilespmem:$0x1B980] =	vst v63  }
0xa8: {  	s17 =	sadd.s32 $0x1, s17;
	_ =	swait.ge [sflag:s12], $0xA000  }
0xa9: {  	p0 =	sne.s32 s17, s10;
	[sflag:s12] =	ssyncset.done $0x0  }
.Ltmp2:
0xaa: {  	[sflag:s12] =	ssyncadd.s32 $0xFFFF6000;
	(pc) =	sbr.rel @p0 .LBB2_1-.Ltmp2, $4  }
0xab: {  	[hbm4b:s9+s2] =	stream.linear.scatter [tilespmem:s16], [sflag:$0x1], $0x140, $0x38;
	[tilespmem:$0x1B980] =	vst v63  }
0xac: {  	_ =	swait.ge [sflag:s12], $0x140  }
0xad: {  	[sflag:s12] =	ssyncset.done $0x0  }
0xae: {  	[sflag:s12] =	ssyncadd.s32 $0xFFFFFEC0  }
0xaf: {  	_ =	sfence.sel $0x180000  }
0xb0: {  	[bflag:$0x0] =	sbarrier.arrive $0xFFFF  }
0xb1: {  	p0 =	sne.s32 s1, $0x0;
	_ =	strace $0x90000047  }
0xb2: {  	s0 =	sadd.s32 @!p0 $0x100000, s0;
	[bflag:$0x2] =	sbarrier.arrive $0xFFFF  }
0xb3: {  	[sflag:s0] =	ssyncadd.tile.s32 @!p0 $0x1;
	_ =	shalt  }
.Lfunc_end2:
_tile_overlayer_lowered:
.L_overlay_start_2:
0xb4: {  	(tag) =	ssettag $0x2  }
0xb5: {  	s0 =	rddreg [dreg:$0x0];
	s2 =	stileid.u32  }
0xb6: {  	s1 =	rddreg [dreg:$0x1];
	p0 =	sne.s32 s2, $0x0  }
0xb7: {  	s3 =	rddreg [dreg:$0x2];
	[bflag:$0x3] =	sbarrier.arrive $0xFFFF;
	s2 =	simm.s32 @!p0 $0x1C01  }
0xb8: {  	[timem:s3], [sflag:s2] =	dma.local @!p0 [hbm:s0], s1  }
0xb9: {  	s0 =	simm.s32 @!p0 $0x1  }
0xba: {  	_ =	swait.ge @!p0 [sflag:s0], s1  }
0xbb: {  	s1 =	ssub.s32 @!p0 $0x0, s1;
	[sflag:s0] =	ssyncset.done @!p0 $0x0  }
0xbc: {  	[sflag:s0] =	ssyncadd.s32 @!p0 s1  }
0xbd: {  	[bflag:$0x3] =	sbarrier.arrive $0xFFFF  }
0xbe: {  	_ =	shalt  }

</sc_bundles>
